<compile_context>
chip_gen: v7x
topology: tpu7x:2x2x1
jax: 0.10.2.dev20260603
libtpu: 0.0.44.dev20260713+nightly
codegen_flags: <defaults>
</compile_context>

<pallas_src>
import functools

import jax
import jax.numpy as jnp
from jax import lax
from jax.experimental import pallas as pl
from jax.experimental.pallas import tpu as pltpu, tpu_sc as plsc

F_IN = 128
F_OUT = 128
KSIZE = 9
MULT = 2
N_COLS = KSIZE * F_IN * MULT
N_OUT = 10000

NW = 32
STRIP_ROWS = 40
STRIPS = 256
STRIPS_PER_W = STRIPS // NW
STRIP_WORDS = STRIP_ROWS * N_COLS
CHUNK = 2048
E_PAD_MARGIN = CHUNK + 512


E_REAL = 320000
SEARCH_ROUNDS = 19


def _build_a(dt_p, ids_p, seg_p, seg2d, rate0, rate1):
    mesh = plsc.VectorSubcoreMesh(core_axis_name="c", subcore_axis_name="s")

    @functools.partial(
        pl.kernel,
        out_type=jax.ShapeDtypeStruct((N_OUT * N_COLS,), jnp.float32),
        mesh=mesh,
        compiler_params=pltpu.CompilerParams(needs_layout_passes=False),
        scratch_types=[
            pltpu.VMEM((STRIP_WORDS,), jnp.float32),
            pltpu.VMEM((CHUNK,), jnp.float32),
            pltpu.VMEM((CHUNK,), jnp.int32),
            pltpu.VMEM((CHUNK,), jnp.int32),
            pltpu.VMEM((F_IN,), jnp.float32),
            pltpu.VMEM((F_IN,), jnp.float32),
            pltpu.VMEM((32,), jnp.int32),
            pltpu.VMEM((16,), jnp.int32),
            pltpu.VMEM((16, 128), jnp.int32),
            pltpu.SemaphoreType.DMA,
        ],
    )
    def sc_kernel(dt_hbm, ids_hbm, seg_hbm, seg2d_hbm, r0_hbm, r1_hbm, a_hbm,
                  strip_v, dt_v, ids_v, seg_v, r0_v, r1_v, bnd_v,
                  midr_v, rows_v, sem):
        wid = lax.axis_index("s") * 2 + lax.axis_index("c")
        pltpu.sync_copy(r0_hbm, r0_v)
        pltpu.sync_copy(r1_hbm, r1_v)
        lanes = lax.iota(jnp.int32, 16)

        q = jnp.minimum((wid * STRIPS_PER_W + lanes) * STRIP_ROWS, N_OUT)

        def search_round(_, carry):
            lo, hi = carry
            mid = (lo + hi) >> 1
            midr_v[...] = mid >> 7
            pltpu.async_copy(seg2d_hbm.at[midr_v], rows_v, sem).wait()
            sm = plsc.load_gather(rows_v, [lanes, mid & 127])
            ge = sm >= q
            return (jnp.where(ge, lo, mid + 1), jnp.where(ge, mid, hi))

        lo, hi = lax.fori_loop(
            0, SEARCH_ROUNDS, search_round,
            (jnp.zeros((16,), jnp.int32), jnp.full((16,), E_REAL, jnp.int32)))
        bnd_v[pl.ds(0, 16)] = lo
        bnd_v[pl.ds(16, 16)] = lo

        def do_strip(k, _):
            sid = wid * STRIPS_PER_W + k
            ra = sid * STRIP_ROWS

            @pl.when(ra < N_OUT)
            def _():
                ev = bnd_v[pl.ds(k, 16)]
                estart = ev[0]
                eend = ev[1]

                def zero_body(t, _):
                    base = t * 256
                    for u in range(16):
                        strip_v[pl.ds(base + u * 16, 16)] = jnp.zeros(
                            (16,), jnp.float32)
                    return _
                lax.fori_loop(0, STRIP_WORDS // 256, zero_body, None)

                e0 = (estart // 16) * 16
                nchunks = jnp.maximum(0, (eend - e0 + CHUNK - 1) // CHUNK)

                def chunk_body(c, _):
                    base = e0 + c * CHUNK
                    pltpu.sync_copy(dt_hbm.at[pl.ds(base, CHUNK)], dt_v)
                    pltpu.sync_copy(ids_hbm.at[pl.ds(base, CHUNK)], ids_v)
                    pltpu.sync_copy(seg_hbm.at[pl.ds(base, CHUNK)], seg_v)
                    ng = jnp.minimum(CHUNK, eend - base + 15) // 16

                    def group_body(i, _):
                        off = i * 16
                        dt16 = dt_v[pl.ds(off, 16)]
                        id16 = ids_v[pl.ds(off, 16)]
                        seg16 = seg_v[pl.ds(off, 16)]
                        gidx = base + off + lanes
                        row_ok = seg16 - ra
                        m = ((gidx >= estart) & (gidx < eend)
                             & (row_ok >= 0) & (row_ok < STRIP_ROWS))
                        c16 = id16 & (F_IN - 1)
                        r0 = plsc.load_gather(r0_v, [c16])
                        r1 = plsc.load_gather(r1_v, [c16])
                        v0 = jnp.exp(-r0 * dt16)
                        v1 = jnp.exp(-r1 * dt16)
                        row = row_ok
                        flat = ((id16 >> 6) * (STRIP_ROWS * 128)
                                + (row << 7)
                                + ((id16 & 63) << 1))
                        plsc.addupdate_scatter(strip_v, [flat], v0, mask=m)
                        plsc.addupdate_scatter(strip_v, [flat + 1], v1, mask=m)
                        return _
                    lax.fori_loop(0, ng, group_body, None)
                    return _
                lax.fori_loop(0, nchunks, chunk_body, None)
                descs = [
                    pltpu.async_copy(
                        strip_v.at[pl.ds(jt * (STRIP_ROWS * 128),
                                         STRIP_ROWS * 128)],
                        a_hbm.at[pl.ds(jt * (N_OUT * 128) + ra * 128,
                                       STRIP_ROWS * 128)],
                        sem)
                    for jt in range(N_COLS // 128)]
                for d in descs:
                    d.wait()
            return _
        lax.fori_loop(0, STRIPS_PER_W, do_strip, None)

    return sc_kernel(dt_p, ids_p, seg_p, seg2d, rate0, rate1)


def _matmul_body(bm, a_ref, w_ref, b_ref, o_ref):
    acc = jnp.zeros((bm, F_OUT), jnp.float32) + b_ref[...]
    for jt in range(N_COLS // 128):
        acc = acc + jnp.dot(a_ref[jt], w_ref[jt],
                            preferred_element_type=jnp.float32)
    o_ref[...] = acc


def _matmul(a3, w3, bias2d):
    bm = 1000
    n_jt = N_COLS // 128
    return pl.pallas_call(
        functools.partial(_matmul_body, bm),
        grid=(N_OUT // bm,),
        in_specs=[
            pl.BlockSpec((n_jt, bm, 128), lambda i: (0, i, 0)),
            pl.BlockSpec((n_jt, 128, F_OUT), lambda i: (0, 0, 0)),
            pl.BlockSpec((1, F_OUT), lambda i: (0, 0)),
        ],
        out_specs=pl.BlockSpec((bm, F_OUT), lambda i: (i, 0)),
        out_shape=jax.ShapeDtypeStruct((N_OUT, F_OUT), jnp.float32),
    )(a3, w3, bias2d)


def kernel(dt, times_out, successor_kernel_channel_ids, segment_ids_out, decay_rate, kernel, bias):
    e = dt.shape[0]
    e_pad = e + E_PAD_MARGIN
    rate = jax.nn.softplus(decay_rate)
    ids = successor_kernel_channel_ids
    seg = segment_ids_out
    dt_p = jnp.pad(dt, (0, e_pad - e))
    ids_p = jnp.pad(ids, (0, e_pad - e))
    seg_p = jnp.pad(seg, (0, e_pad - e), constant_values=N_OUT)
    seg2d = seg.reshape(e // 128, 128)
    a = _build_a(dt_p, ids_p, seg_p, seg2d,
                 rate[:, 0].copy(), rate[:, 1].copy())
    a3 = a.reshape(N_COLS // 128, N_OUT, 128)
    w3 = kernel.reshape(N_COLS // 128, 128, F_OUT)
    return _matmul(a3, w3, bias.reshape(1, F_OUT))

# --- scband reference (transcript-rebuilt; emitter-appended) ---
"""Pipeline reference for scband-one-hot-exclusive-conv-34857954574526 (READ-ONLY COPY).

The authoritative reference and input builder live on the scoring server;
editing this copy changes nothing except your own understanding.
"""

import jax, jax.numpy as jnp
import numpy as np

F_IN = 128
F_OUT = 128
KSIZE = 9
MULT = 2
E = 320000
N_OUT = 10000


def setup_inputs(seed: int = 0) -> dict:
    key = jax.random.key(seed)
    k1, k2, k3, k4, k5 = jax.random.split(key, 5)
    dt = jax.random.uniform(k1, (E,), dtype=jnp.float32)
    times_out = jax.random.uniform(k2, (N_OUT,), dtype=jnp.float32)
    successor_kernel_channel_ids = jax.random.randint(k3, (E,), 0, KSIZE * F_IN, dtype=jnp.int32)
    segment_ids_out = jnp.sort(jax.random.randint(k4, (E,), 0, N_OUT, dtype=jnp.int32))
    # learned parameters per build(): decay_rate (filters_in, channel_multiplier) init zeros,
    # kernel (kernel_size, filters_in*channel_multiplier, filters_out) glorot_uniform, bias zeros
    decay_rate = jnp.zeros((F_IN, MULT), dtype=jnp.float32)
    fan_in = F_IN * MULT * KSIZE
    fan_out = F_OUT * KSIZE
    limit = np.sqrt(6.0 / (fan_in + fan_out))
    kernel = jax.random.uniform(k5, (KSIZE, F_IN * MULT, F_OUT), dtype=jnp.float32, minval=-limit, maxval=limit)
    bias = jnp.zeros((F_OUT,), dtype=jnp.float32)
    return {
        'dt': dt,
        'times_out': times_out,
        'successor_kernel_channel_ids': successor_kernel_channel_ids,
        'segment_ids_out': segment_ids_out,
        'decay_rate': decay_rate,
        'kernel': kernel,
        'bias': bias,
    }


def reference(dt, times_out, successor_kernel_channel_ids, segment_ids_out, decay_rate, kernel, bias):
    # decay_rate_activation = softplus
    rate = jax.nn.softplus(decay_rate)  # [F_IN, MULT]
    n_out = times_out.shape[0]
    # decompose combined (kernel_position, input_channel) id
    k_id = successor_kernel_channel_ids // F_IN  # [E]
    c_id = successor_kernel_channel_ids % F_IN   # [E]
    # exponential temporal decay feature per event, per channel-multiplier slot
    vals = jnp.exp(-rate[c_id] * dt[:, None])  # [E, MULT]
    # gather kernel slices for each event's (kernel_pos, channel) pair
    kernel_r = kernel.reshape(KSIZE, F_IN, MULT, F_OUT)
    wg = kernel_r[k_id, c_id]  # [E, MULT, F_OUT]
    contrib = jnp.einsum('em,emf->ef', vals, wg)  # [E, F_OUT]
    out = jax.ops.segment_sum(contrib, segment_ids_out, num_segments=n_out)  # [N_OUT, F_OUT]
    out = out + bias  # use_bias
    # activation=None -> linear
    return out

if __name__ == "__main__":
    import jax
    _d = setup_inputs()
    print(jax.jit(kernel)(*tuple(_d.values())))

</pallas_src>

<mosaic_0001>
#map = affine_map<(d0, d1) -> (0)>
#map1 = affine_map<(d0, d1) -> (0, 0)>
module attributes {stable_mosaic.version = 14 : i64} {
  func.func @sc_kernel(%arg0: i32, %arg1: i32, %arg2: memref<322560xf32, #tpu.memory_space<hbm>>, %arg3: memref<322560xi32, #tpu.memory_space<hbm>>, %arg4: memref<322560xi32, #tpu.memory_space<hbm>>, %arg5: memref<2500x128xi32, #tpu.memory_space<hbm>>, %arg6: memref<128xf32, #tpu.memory_space<hbm>>, %arg7: memref<128xf32, #tpu.memory_space<hbm>>, %arg8: memref<23040000xf32, #tpu.memory_space<hbm>>, %arg9: memref<92160xf32, #tpu.memory_space<vmem>>, %arg10: memref<2048xf32, #tpu.memory_space<vmem>>, %arg11: memref<2048xi32, #tpu.memory_space<vmem>>, %arg12: memref<2048xi32, #tpu.memory_space<vmem>>, %arg13: memref<128xf32, #tpu.memory_space<vmem>>, %arg14: memref<128xf32, #tpu.memory_space<vmem>>, %arg15: memref<32xi32, #tpu.memory_space<vmem>>, %arg16: memref<16xi32, #tpu.memory_space<vmem>>, %arg17: memref<16x128xi32, #tpu.memory_space<vmem>>, %arg18: memref<!tpu.dma_semaphore, #tpu.memory_space<semaphore_mem>>) attributes {dimension_semantics = [#tpu.dimension_semantics<core_parallel>, #tpu.dimension_semantics<subcore_parallel>], iteration_bounds = array<i64: 2, 16>, scalar_prefetch = 0 : i64, scratch_operands = 10 : i64, tpu.core_type = #tpu.core_type<sc_vector_subcore>, window_params = [{transform_indices = #map}, {transform_indices = #map}, {transform_indices = #map}, {transform_indices = #map1}, {transform_indices = #map}, {transform_indices = #map}, {transform_indices = #map}]} {
    %mul3A = arith.constant 2 : i32
    %mul3A_0 = arith.muli %arg1, %mul3A : i32
    %add3A = arith.addi %mul3A_0, %arg0 : i32
    "tpu.region"() ({
      %run_scoped3A = tpu.sem_alloc : memref<!tpu.dma_semaphore, #tpu.memory_space<semaphore_mem>>
      tpu.enqueue_dma source(%arg6 : memref<128xf32, #tpu.memory_space<hbm>>) target(%arg13 : memref<128xf32, #tpu.memory_space<vmem>>) target_semaphore(%run_scoped3A : memref<!tpu.dma_semaphore, #tpu.memory_space<semaphore_mem>>)
      tpu.wait_dma2 semaphore(%run_scoped3A : memref<!tpu.dma_semaphore, #tpu.memory_space<semaphore_mem>>) src(%arg6 : memref<128xf32, #tpu.memory_space<hbm>>) dst(%arg13 : memref<128xf32, #tpu.memory_space<vmem>>)
      tpu.yield
    }) : () -> ()
    "tpu.region"() ({
      %run_scoped3A = tpu.sem_alloc : memref<!tpu.dma_semaphore, #tpu.memory_space<semaphore_mem>>
      tpu.enqueue_dma source(%arg7 : memref<128xf32, #tpu.memory_space<hbm>>) target(%arg14 : memref<128xf32, #tpu.memory_space<vmem>>) target_semaphore(%run_scoped3A : memref<!tpu.dma_semaphore, #tpu.memory_space<semaphore_mem>>)
      tpu.wait_dma2 semaphore(%run_scoped3A : memref<!tpu.dma_semaphore, #tpu.memory_space<semaphore_mem>>) src(%arg7 : memref<128xf32, #tpu.memory_space<hbm>>) dst(%arg14 : memref<128xf32, #tpu.memory_space<vmem>>)
      tpu.yield
    }) : () -> ()
    %iota3A = tpu.iota {dimensions = array<i32: 0>} : vector<16xi32>
    %mul3A_1 = arith.constant 8 : i32
    %mul3A_2 = arith.muli %add3A, %mul3A_1 : i32
    %add3A_3 = vector.broadcast %mul3A_2 : i32 to vector<16xi32>
    %add3A_4 = arith.addi %add3A_3, %iota3A : vector<16xi32>
    %mul3A_5 = arith.constant 40 : i32
    %mul3A_6 = vector.broadcast %mul3A_5 : i32 to vector<16xi32>
    %mul3A_7 = arith.muli %add3A_4, %mul3A_6 : vector<16xi32>
    %min3A = arith.constant 10000 : i32
    %min3A_8 = vector.broadcast %min3A : i32 to vector<16xi32>
    %min3A_9 = arith.minsi %mul3A_7, %min3A_8 : vector<16xi32>
    %broadcast_in_dim3A = arith.constant 0 : i32
    %broadcast_in_dim3A_10 = vector.broadcast %broadcast_in_dim3A : i32 to vector<16xi32>
    %broadcast_in_dim3A_11 = arith.constant 320000 : i32
    %broadcast_in_dim3A_12 = vector.broadcast %broadcast_in_dim3A_11 : i32 to vector<16xi32>
    %scan3A = arith.constant 0 : i32
    %scan3A_13 = arith.constant 19 : i32
    %scan3A_14 = arith.addi %scan3A, %scan3A_13 : i32
    %scan3A_15 = arith.constant 1 : i32
    %scan3A_16:2 = scf.for %scan3A_26 = %scan3A to %scan3A_14 step %scan3A_15 iter_args(%scan3A_27 = %broadcast_in_dim3A_10, %scan3A_28 = %broadcast_in_dim3A_12) -> (vector<16xi32>, vector<16xi32>)  : i32 {
      %add3A_29 = arith.addi %scan3A_27, %scan3A_28 : vector<16xi32>
      %shift_right_arithmetic3A = arith.constant 1 : i32
      %shift_right_arithmetic3A_30 = vector.broadcast %shift_right_arithmetic3A : i32 to vector<16xi32>
      %shift_right_arithmetic3A_31 = arith.shrsi %add3A_29, %shift_right_arithmetic3A_30 : vector<16xi32>
      %shift_right_arithmetic3A_32 = arith.constant 7 : i32
      %shift_right_arithmetic3A_33 = vector.broadcast %shift_right_arithmetic3A_32 : i32 to vector<16xi32>
      %shift_right_arithmetic3A_34 = arith.shrsi %shift_right_arithmetic3A_31, %shift_right_arithmetic3A_33 : vector<16xi32>
      %swap3A_35 = arith.constant 0 : index
      %swap3A_36 = tpu.vector_load %arg16[%swap3A_35] {strides = array<i32>} : memref<16xi32, #tpu.memory_space<vmem>>, vector<16xi32>,
      tpu.vector_store %arg16[%swap3A_35], %shift_right_arithmetic3A_34 {strides = array<i32>} : memref<16xi32, #tpu.memory_space<vmem>>, vector<16xi32>,
      %dma_start3A = arith.constant 0 : i32
      %dma_start3A_37 = arith.constant 0 : i32
      %dma_start3A_38 = tpu.memref_slice %arg5[%dma_start3A, %dma_start3A_37] : memref<2500x128xi32, #tpu.memory_space<hbm>> -> memref<2500x128xi32, #tpu.memory_space<hbm>>
      tpu.enqueue_indirect_dma source(%dma_start3A_38 : memref<2500x128xi32, #tpu.memory_space<hbm>>) target(%arg17 : memref<16x128xi32, #tpu.memory_space<vmem>>) offsets(%arg16 : memref<16xi32, #tpu.memory_space<vmem>>) semaphore(%arg18 : memref<!tpu.dma_semaphore, #tpu.memory_space<semaphore_mem>>)
      %dma_wait3A = arith.constant 0 : i32
      %dma_wait3A_39 = arith.constant 0 : i32
      %dma_wait3A_40 = tpu.memref_slice %arg5[%dma_wait3A, %dma_wait3A_39] : memref<2500x128xi32, #tpu.memory_space<hbm>> -> memref<2500x128xi32, #tpu.memory_space<hbm>>
      tpu.wait_indirect_dma semaphore(%arg18 : memref<!tpu.dma_semaphore, #tpu.memory_space<semaphore_mem>>) src(%dma_wait3A_40 : memref<2500x128xi32, #tpu.memory_space<hbm>>) dst(%arg17 : memref<16x128xi32, #tpu.memory_space<vmem>>)
      %and3A = arith.constant 127 : i32
      %and3A_41 = vector.broadcast %and3A : i32 to vector<16xi32>
      %and3A_42 = arith.andi %shift_right_arithmetic3A_31, %and3A_41 : vector<16xi32>
      %gather3A = tpu.vector_load_idx %arg17[%iota3A, %and3A_42] : memref<16x128xi32, #tpu.memory_space<vmem>>[vector<16xi32>, vector<16xi32>], vector<16xi32>,
      %ge3A = arith.cmpi sge, %gather3A, %min3A_9 : vector<16xi32>
      %add3A_43 = arith.constant 1 : i32
      %add3A_44 = vector.broadcast %add3A_43 : i32 to vector<16xi32>
      %add3A_45 = arith.addi %shift_right_arithmetic3A_31, %add3A_44 : vector<16xi32>
      %select_n3A = arith.select %ge3A, %scan3A_27, %add3A_45 : vector<16xi1>, vector<16xi32>
      %select_n3A_46 = arith.select %ge3A, %shift_right_arithmetic3A_31, %scan3A_28 : vector<16xi1>, vector<16xi32>
      scf.yield %select_n3A, %select_n3A_46 : vector<16xi32>, vector<16xi32>
    }
    %scan3A_17 = arith.constant 19 : i32
    %swap3A = arith.constant 0 : index
    %swap3A_18 = tpu.vector_load %arg15[%swap3A] {strides = array<i32>} : memref<32xi32, #tpu.memory_space<vmem>>, vector<16xi32>,
    tpu.vector_store %arg15[%swap3A], %scan3A_16#0 {strides = array<i32>} : memref<32xi32, #tpu.memory_space<vmem>>, vector<16xi32>,
    %swap3A_19 = arith.constant 16 : index
    %swap3A_20 = tpu.vector_load %arg15[%swap3A_19] {strides = array<i32>} : memref<32xi32, #tpu.memory_space<vmem>>, vector<16xi32>,
    tpu.vector_store %arg15[%swap3A_19], %scan3A_16#0 {strides = array<i32>} : memref<32xi32, #tpu.memory_space<vmem>>, vector<16xi32>,
    %scan3A_21 = arith.constant 0 : i32
    %scan3A_22 = arith.constant 8 : i32
    %scan3A_23 = arith.addi %scan3A_21, %scan3A_22 : i32
    %scan3A_24 = arith.constant 1 : i32
    scf.for %scan3A_26 = %scan3A_21 to %scan3A_23 step %scan3A_24  : i32 {
      %mul3A_27 = arith.constant 8 : i32
      %mul3A_28 = arith.muli %add3A, %mul3A_27 : i32
      %add3A_29 = arith.addi %mul3A_28, %scan3A_26 : i32
      %mul3A_30 = arith.constant 40 : i32
      %mul3A_31 = arith.muli %add3A_29, %mul3A_30 : i32
      %lt3A = arith.constant 10000 : i32
      %lt3A_32 = arith.cmpi slt, %mul3A_31, %lt3A : i32
      %convert_element_type3A = arith.extui %lt3A_32 : i1 to i32
      %cond3A = arith.constant 0 : i32
      %cond3A_33 = arith.cmpi ne, %convert_element_type3A, %cond3A : i32
      scf.if %cond3A_33 {
        %get3A = arith.index_cast %scan3A_26 : i32 to index
        %get3A_34 = tpu.vector_load %arg15[%get3A] {strides = array<i32>} : memref<32xi32, #tpu.memory_space<vmem>>, vector<16xi32>,
        %slice3A = vector.extract_strided_slice %get3A_34 {offsets = [0], sizes = [1], strides = [1]} : vector<16xi32> to vector<1xi32>
        %squeeze3A = vector.extract %slice3A[0] : i32 from vector<1xi32>
        %slice3A_35 = vector.extract_strided_slice %get3A_34 {offsets = [1], sizes = [1], strides = [1]} : vector<16xi32> to vector<1xi32>
        %squeeze3A_36 = vector.extract %slice3A_35[0] : i32 from vector<1xi32>
        %scan3A_37 = arith.constant 0 : i32
        %scan3A_38 = arith.constant 360 : i32
        %scan3A_39 = arith.addi %scan3A_37, %scan3A_38 : i32
        %scan3A_40 = arith.constant 1 : i32
        scf.for %scan3A_384 = %scan3A_37 to %scan3A_39 step %scan3A_40  : i32 {
          %mul3A_385 = arith.constant 256 : i32
          %mul3A_386 = arith.muli %scan3A_384, %mul3A_385 : i32
          %broadcast_in_dim3A_387 = arith.constant 0.000000e+00 : f32
          %broadcast_in_dim3A_388 = vector.broadcast %broadcast_in_dim3A_387 : f32 to vector<16xf32>
          %add3A_389 = arith.constant 0 : i32
          %add3A_390 = arith.addi %mul3A_386, %add3A_389 : i32
          %swap3A_391 = arith.index_cast %add3A_390 : i32 to index
          %swap3A_392 = tpu.vector_load %arg9[%swap3A_391] {strides = array<i32>} : memref<92160xf32, #tpu.memory_space<vmem>>, vector<16xf32>,
          tpu.vector_store %arg9[%swap3A_391], %broadcast_in_dim3A_388 {strides = array<i32>} : memref<92160xf32, #tpu.memory_space<vmem>>, vector<16xf32>,
          %broadcast_in_dim3A_393 = arith.constant 0.000000e+00 : f32
          %broadcast_in_dim3A_394 = vector.broadcast %broadcast_in_dim3A_393 : f32 to vector<16xf32>
          %add3A_395 = arith.constant 16 : i32
          %add3A_396 = arith.addi %mul3A_386, %add3A_395 : i32
          %swap3A_397 = arith.index_cast %add3A_396 : i32 to index
          %swap3A_398 = tpu.vector_load %arg9[%swap3A_397] {strides = array<i32>} : memref<92160xf32, #tpu.memory_space<vmem>>, vector<16xf32>,
          tpu.vector_store %arg9[%swap3A_397], %broadcast_in_dim3A_394 {strides = array<i32>} : memref<92160xf32, #tpu.memory_space<vmem>>, vector<16xf32>,
          %broadcast_in_dim3A_399 = arith.constant 0.000000e+00 : f32
          %broadcast_in_dim3A_400 = vector.broadcast %broadcast_in_dim3A_399 : f32 to vector<16xf32>
          %add3A_401 = arith.constant 32 : i32
          %add3A_402 = arith.addi %mul3A_386, %add3A_401 : i32
          %swap3A_403 = arith.index_cast %add3A_402 : i32 to index
          %swap3A_404 = tpu.vector_load %arg9[%swap3A_403] {strides = array<i32>} : memref<92160xf32, #tpu.memory_space<vmem>>, vector<16xf32>,
          tpu.vector_store %arg9[%swap3A_403], %broadcast_in_dim3A_400 {strides = array<i32>} : memref<92160xf32, #tpu.memory_space<vmem>>, vector<16xf32>,
          %broadcast_in_dim3A_405 = arith.constant 0.000000e+00 : f32
          %broadcast_in_dim3A_406 = vector.broadcast %broadcast_in_dim3A_405 : f32 to vector<16xf32>
          %add3A_407 = arith.constant 48 : i32
          %add3A_408 = arith.addi %mul3A_386, %add3A_407 : i32
          %swap3A_409 = arith.index_cast %add3A_408 : i32 to index
          %swap3A_410 = tpu.vector_load %arg9[%swap3A_409] {strides = array<i32>} : memref<92160xf32, #tpu.memory_space<vmem>>, vector<16xf32>,
          tpu.vector_store %arg9[%swap3A_409], %broadcast_in_dim3A_406 {strides = array<i32>} : memref<92160xf32, #tpu.memory_space<vmem>>, vector<16xf32>,
          %broadcast_in_dim3A_411 = arith.constant 0.000000e+00 : f32
          %broadcast_in_dim3A_412 = vector.broadcast %broadcast_in_dim3A_411 : f32 to vector<16xf32>
          %add3A_413 = arith.constant 64 : i32
          %add3A_414 = arith.addi %mul3A_386, %add3A_413 : i32
          %swap3A_415 = arith.index_cast %add3A_414 : i32 to index
          %swap3A_416 = tpu.vector_load %arg9[%swap3A_415] {strides = array<i32>} : memref<92160xf32, #tpu.memory_space<vmem>>, vector<16xf32>,
          tpu.vector_store %arg9[%swap3A_415], %broadcast_in_dim3A_412 {strides = array<i32>} : memref<92160xf32, #tpu.memory_space<vmem>>, vector<16xf32>,
          %broadcast_in_dim3A_417 = arith.constant 0.000000e+00 : f32
          %broadcast_in_dim3A_418 = vector.broadcast %broadcast_in_dim3A_417 : f32 to vector<16xf32>
          %add3A_419 = arith.constant 80 : i32
          %add3A_420 = arith.addi %mul3A_386, %add3A_419 : i32
          %swap3A_421 = arith.index_cast %add3A_420 : i32 to index
          %swap3A_422 = tpu.vector_load %arg9[%swap3A_421] {strides = array<i32>} : memref<92160xf32, #tpu.memory_space<vmem>>, vector<16xf32>,
          tpu.vector_store %arg9[%swap3A_421], %broadcast_in_dim3A_418 {strides = array<i32>} : memref<92160xf32, #tpu.memory_space<vmem>>, vector<16xf32>,
          %broadcast_in_dim3A_423 = arith.constant 0.000000e+00 : f32
          %broadcast_in_dim3A_424 = vector.broadcast %broadcast_in_dim3A_423 : f32 to vector<16xf32>
          %add3A_425 = arith.constant 96 : i32
          %add3A_426 = arith.addi %mul3A_386, %add3A_425 : i32
          %swap3A_427 = arith.index_cast %add3A_426 : i32 to index
          %swap3A_428 = tpu.vector_load %arg9[%swap3A_427] {strides = array<i32>} : memref<92160xf32, #tpu.memory_space<vmem>>, vector<16xf32>,
          tpu.vector_store %arg9[%swap3A_427], %broadcast_in_dim3A_424 {strides = array<i32>} : memref<92160xf32, #tpu.memory_space<vmem>>, vector<16xf32>,
          %broadcast_in_dim3A_429 = arith.constant 0.000000e+00 : f32
          %broadcast_in_dim3A_430 = vector.broadcast %broadcast_in_dim3A_429 : f32 to vector<16xf32>
          %add3A_431 = arith.constant 112 : i32
          %add3A_432 = arith.addi %mul3A_386, %add3A_431 : i32
          %swap3A_433 = arith.index_cast %add3A_432 : i32 to index
          %swap3A_434 = tpu.vector_load %arg9[%swap3A_433] {strides = array<i32>} : memref<92160xf32, #tpu.memory_space<vmem>>, vector<16xf32>,
          tpu.vector_store %arg9[%swap3A_433], %broadcast_in_dim3A_430 {strides = array<i32>} : memref<92160xf32, #tpu.memory_space<vmem>>, vector<16xf32>,
          %broadcast_in_dim3A_435 = arith.constant 0.000000e+00 : f32
          %broadcast_in_dim3A_436 = vector.broadcast %broadcast_in_dim3A_435 : f32 to vector<16xf32>
          %add3A_437 = arith.constant 128 : i32
          %add3A_438 = arith.addi %mul3A_386, %add3A_437 : i32
          %swap3A_439 = arith.index_cast %add3A_438 : i32 to index
          %swap3A_440 = tpu.vector_load %arg9[%swap3A_439] {strides = array<i32>} : memref<92160xf32, #tpu.memory_space<vmem>>, vector<16xf32>,
          tpu.vector_store %arg9[%swap3A_439], %broadcast_in_dim3A_436 {strides = array<i32>} : memref<92160xf32, #tpu.memory_space<vmem>>, vector<16xf32>,
          %broadcast_in_dim3A_441 = arith.constant 0.000000e+00 : f32
          %broadcast_in_dim3A_442 = vector.broadcast %broadcast_in_dim3A_441 : f32 to vector<16xf32>
          %add3A_443 = arith.constant 144 : i32
          %add3A_444 = arith.addi %mul3A_386, %add3A_443 : i32
          %swap3A_445 = arith.index_cast %add3A_444 : i32 to index
          %swap3A_446 = tpu.vector_load %arg9[%swap3A_445] {strides = array<i32>} : memref<92160xf32, #tpu.memory_space<vmem>>, vector<16xf32>,
          tpu.vector_store %arg9[%swap3A_445], %broadcast_in_dim3A_442 {strides = array<i32>} : memref<92160xf32, #tpu.memory_space<vmem>>, vector<16xf32>,
          %broadcast_in_dim3A_447 = arith.constant 0.000000e+00 : f32
          %broadcast_in_dim3A_448 = vector.broadcast %broadcast_in_dim3A_447 : f32 to vector<16xf32>
          %add3A_449 = arith.constant 160 : i32
          %add3A_450 = arith.addi %mul3A_386, %add3A_449 : i32
          %swap3A_451 = arith.index_cast %add3A_450 : i32 to index
          %swap3A_452 = tpu.vector_load %arg9[%swap3A_451] {strides = array<i32>} : memref<92160xf32, #tpu.memory_space<vmem>>, vector<16xf32>,
          tpu.vector_store %arg9[%swap3A_451], %broadcast_in_dim3A_448 {strides = array<i32>} : memref<92160xf32, #tpu.memory_space<vmem>>, vector<16xf32>,
          %broadcast_in_dim3A_453 = arith.constant 0.000000e+00 : f32
          %broadcast_in_dim3A_454 = vector.broadcast %broadcast_in_dim3A_453 : f32 to vector<16xf32>
          %add3A_455 = arith.constant 176 : i32
          %add3A_456 = arith.addi %mul3A_386, %add3A_455 : i32
          %swap3A_457 = arith.index_cast %add3A_456 : i32 to index
          %swap3A_458 = tpu.vector_load %arg9[%swap3A_457] {strides = array<i32>} : memref<92160xf32, #tpu.memory_space<vmem>>, vector<16xf32>,
          tpu.vector_store %arg9[%swap3A_457], %broadcast_in_dim3A_454 {strides = array<i32>} : memref<92160xf32, #tpu.memory_space<vmem>>, vector<16xf32>,
          %broadcast_in_dim3A_459 = arith.constant 0.000000e+00 : f32
          %broadcast_in_dim3A_460 = vector.broadcast %broadcast_in_dim3A_459 : f32 to vector<16xf32>
          %add3A_461 = arith.constant 192 : i32
          %add3A_462 = arith.addi %mul3A_386, %add3A_461 : i32
          %swap3A_463 = arith.index_cast %add3A_462 : i32 to index
          %swap3A_464 = tpu.vector_load %arg9[%swap3A_463] {strides = array<i32>} : memref<92160xf32, #tpu.memory_space<vmem>>, vector<16xf32>,
          tpu.vector_store %arg9[%swap3A_463], %broadcast_in_dim3A_460 {strides = array<i32>} : memref<92160xf32, #tpu.memory_space<vmem>>, vector<16xf32>,
          %broadcast_in_dim3A_465 = arith.constant 0.000000e+00 : f32
          %broadcast_in_dim3A_466 = vector.broadcast %broadcast_in_dim3A_465 : f32 to vector<16xf32>
          %add3A_467 = arith.constant 208 : i32
          %add3A_468 = arith.addi %mul3A_386, %add3A_467 : i32
          %swap3A_469 = arith.index_cast %add3A_468 : i32 to index
          %swap3A_470 = tpu.vector_load %arg9[%swap3A_469] {strides = array<i32>} : memref<92160xf32, #tpu.memory_space<vmem>>, vector<16xf32>,
          tpu.vector_store %arg9[%swap3A_469], %broadcast_in_dim3A_466 {strides = array<i32>} : memref<92160xf32, #tpu.memory_space<vmem>>, vector<16xf32>,
          %broadcast_in_dim3A_471 = arith.constant 0.000000e+00 : f32
          %broadcast_in_dim3A_472 = vector.broadcast %broadcast_in_dim3A_471 : f32 to vector<16xf32>
          %add3A_473 = arith.constant 224 : i32
          %add3A_474 = arith.addi %mul3A_386, %add3A_473 : i32
          %swap3A_475 = arith.index_cast %add3A_474 : i32 to index
          %swap3A_476 = tpu.vector_load %arg9[%swap3A_475] {strides = array<i32>} : memref<92160xf32, #tpu.memory_space<vmem>>, vector<16xf32>,
          tpu.vector_store %arg9[%swap3A_475], %broadcast_in_dim3A_472 {strides = array<i32>} : memref<92160xf32, #tpu.memory_space<vmem>>, vector<16xf32>,
          %broadcast_in_dim3A_477 = arith.constant 0.000000e+00 : f32
          %broadcast_in_dim3A_478 = vector.broadcast %broadcast_in_dim3A_477 : f32 to vector<16xf32>
          %add3A_479 = arith.constant 240 : i32
          %add3A_480 = arith.addi %mul3A_386, %add3A_479 : i32
          %swap3A_481 = arith.index_cast %add3A_480 : i32 to index
          %swap3A_482 = tpu.vector_load %arg9[%swap3A_481] {strides = array<i32>} : memref<92160xf32, #tpu.memory_space<vmem>>, vector<16xf32>,
          tpu.vector_store %arg9[%swap3A_481], %broadcast_in_dim3A_478 {strides = array<i32>} : memref<92160xf32, #tpu.memory_space<vmem>>, vector<16xf32>,
        }
        %scan3A_41 = arith.constant 360 : i32
        %jit3A = arith.constant 16 : i32
        %div3A = arith.divsi %squeeze3A, %jit3A : i32
        %sign3A = arith.constant 0 : i32
        %sign3A_42 = arith.cmpi sgt, %squeeze3A, %sign3A : i32
        %sign3A_43 = arith.extui %sign3A_42 : i1 to i32
        %sign3A_44 = arith.constant 0 : i32
        %sign3A_45 = arith.cmpi slt, %squeeze3A, %sign3A_44 : i32
        %sign3A_46 = arith.extui %sign3A_45 : i1 to i32
        %sign3A_47 = arith.subi %sign3A_43, %sign3A_46 : i32
        %sign3A_48 = arith.constant 0 : i32
        %sign3A_49 = arith.cmpi sgt, %jit3A, %sign3A_48 : i32
        %sign3A_50 = arith.extui %sign3A_49 : i1 to i32
        %sign3A_51 = arith.constant 0 : i32
        %sign3A_52 = arith.cmpi slt, %jit3A, %sign3A_51 : i32
        %sign3A_53 = arith.extui %sign3A_52 : i1 to i32
        %sign3A_54 = arith.subi %sign3A_50, %sign3A_53 : i32
        %ne3A = arith.cmpi ne, %sign3A_47, %sign3A_54 : i32
        %rem3A = arith.remsi %squeeze3A, %jit3A : i32
        %ne3A_55 = arith.constant 0 : i32
        %ne3A_56 = arith.cmpi ne, %rem3A, %ne3A_55 : i32
        %and3A = arith.andi %ne3A, %ne3A_56 : i1
        %sub3A = arith.constant 1 : i32
        %sub3A_57 = arith.subi %div3A, %sub3A : i32
        %select_n3A = arith.select %and3A, %sub3A_57, %div3A : i32
        %mul3A_58 = arith.constant 16 : i32
        %mul3A_59 = arith.muli %select_n3A, %mul3A_58 : i32
        %sub3A_60 = arith.subi %squeeze3A_36, %mul3A_59 : i32
        %add3A_61 = arith.constant 2048 : i32
        %add3A_62 = arith.addi %sub3A_60, %add3A_61 : i32
        %sub3A_63 = arith.constant 1 : i32
        %sub3A_64 = arith.subi %add3A_62, %sub3A_63 : i32
        %jit3A_65 = arith.constant 2048 : i32
        %div3A_66 = arith.divsi %sub3A_64, %jit3A_65 : i32
        %sign3A_67 = arith.constant 0 : i32
        %sign3A_68 = arith.cmpi sgt, %sub3A_64, %sign3A_67 : i32
        %sign3A_69 = arith.extui %sign3A_68 : i1 to i32
        %sign3A_70 = arith.constant 0 : i32
        %sign3A_71 = arith.cmpi slt, %sub3A_64, %sign3A_70 : i32
        %sign3A_72 = arith.extui %sign3A_71 : i1 to i32
        %sign3A_73 = arith.subi %sign3A_69, %sign3A_72 : i32
        %sign3A_74 = arith.constant 0 : i32
        %sign3A_75 = arith.cmpi sgt, %jit3A_65, %sign3A_74 : i32
        %sign3A_76 = arith.extui %sign3A_75 : i1 to i32
        %sign3A_77 = arith.constant 0 : i32
        %sign3A_78 = arith.cmpi slt, %jit3A_65, %sign3A_77 : i32
        %sign3A_79 = arith.extui %sign3A_78 : i1 to i32
        %sign3A_80 = arith.subi %sign3A_76, %sign3A_79 : i32
        %ne3A_81 = arith.cmpi ne, %sign3A_73, %sign3A_80 : i32
        %rem3A_82 = arith.remsi %sub3A_64, %jit3A_65 : i32
        %ne3A_83 = arith.constant 0 : i32
        %ne3A_84 = arith.cmpi ne, %rem3A_82, %ne3A_83 : i32
        %and3A_85 = arith.andi %ne3A_81, %ne3A_84 : i1
        %sub3A_86 = arith.constant 1 : i32
        %sub3A_87 = arith.subi %div3A_66, %sub3A_86 : i32
        %select_n3A_88 = arith.select %and3A_85, %sub3A_87, %div3A_66 : i32
        %max3A = arith.constant 0 : i32
        %max3A_89 = arith.maxsi %max3A, %select_n3A_88 : i32
        %while3A = arith.constant 0 : i32
        %while3A_90 = arith.subi %max3A_89, %while3A : i32
        %while3A_91 = arith.addi %while3A, %while3A_90 : i32
        %while3A_92 = arith.constant 1 : i32
        %while3A_93 = arith.divsi %while3A_90, %while3A_92 : i32
        %while3A_94 = arith.muli %while3A_93, %while3A_92 : i32
        %while3A_95 = arith.addi %while3A, %while3A_94 : i32
        %while3A_96 = arith.constant 1 : i32
        scf.for %while3A_384 = %while3A to %while3A_95 step %while3A_96  : i32 {
          %mul3A_385 = arith.constant 2048 : i32
          %mul3A_386 = arith.muli %while3A_384, %mul3A_385 : i32
          %add3A_387 = arith.addi %mul3A_59, %mul3A_386 : i32
          "tpu.region"() ({
            %run_scoped3A = tpu.sem_alloc : memref<!tpu.dma_semaphore, #tpu.memory_space<semaphore_mem>>
            %dma_start3A_426 = tpu.memref_slice %arg2[%add3A_387] : memref<322560xf32, #tpu.memory_space<hbm>> -> memref<2048xf32, #tpu.memory_space<hbm>>
            %dma_start3A_427 = tpu.memref_slice %arg2[%add3A_387] : memref<322560xf32, #tpu.memory_space<hbm>> -> memref<2048xf32, #tpu.memory_space<hbm>>
            tpu.enqueue_dma source(%dma_start3A_427 : memref<2048xf32, #tpu.memory_space<hbm>>) target(%arg10 : memref<2048xf32, #tpu.memory_space<vmem>>) target_semaphore(%run_scoped3A : memref<!tpu.dma_semaphore, #tpu.memory_space<semaphore_mem>>)
            %dma_wait3A_428 = tpu.memref_slice %arg2[%add3A_387] : memref<322560xf32, #tpu.memory_space<hbm>> -> memref<2048xf32, #tpu.memory_space<hbm>>
            %dma_wait3A_429 = tpu.memref_slice %arg2[%add3A_387] : memref<322560xf32, #tpu.memory_space<hbm>> -> memref<2048xf32, #tpu.memory_space<hbm>>
            tpu.wait_dma2 semaphore(%run_scoped3A : memref<!tpu.dma_semaphore, #tpu.memory_space<semaphore_mem>>) src(%dma_wait3A_429 : memref<2048xf32, #tpu.memory_space<hbm>>) dst(%arg10 : memref<2048xf32, #tpu.memory_space<vmem>>)
            tpu.yield
          }) : () -> ()
          "tpu.region"() ({
            %run_scoped3A = tpu.sem_alloc : memref<!tpu.dma_semaphore, #tpu.memory_space<semaphore_mem>>
            %dma_start3A_426 = tpu.memref_slice %arg3[%add3A_387] : memref<322560xi32, #tpu.memory_space<hbm>> -> memref<2048xi32, #tpu.memory_space<hbm>>
            %dma_start3A_427 = tpu.memref_slice %arg3[%add3A_387] : memref<322560xi32, #tpu.memory_space<hbm>> -> memref<2048xi32, #tpu.memory_space<hbm>>
            tpu.enqueue_dma source(%dma_start3A_427 : memref<2048xi32, #tpu.memory_space<hbm>>) target(%arg11 : memref<2048xi32, #tpu.memory_space<vmem>>) target_semaphore(%run_scoped3A : memref<!tpu.dma_semaphore, #tpu.memory_space<semaphore_mem>>)
            %dma_wait3A_428 = tpu.memref_slice %arg3[%add3A_387] : memref<322560xi32, #tpu.memory_space<hbm>> -> memref<2048xi32, #tpu.memory_space<hbm>>
            %dma_wait3A_429 = tpu.memref_slice %arg3[%add3A_387] : memref<322560xi32, #tpu.memory_space<hbm>> -> memref<2048xi32, #tpu.memory_space<hbm>>
            tpu.wait_dma2 semaphore(%run_scoped3A : memref<!tpu.dma_semaphore, #tpu.memory_space<semaphore_mem>>) src(%dma_wait3A_429 : memref<2048xi32, #tpu.memory_space<hbm>>) dst(%arg11 : memref<2048xi32, #tpu.memory_space<vmem>>)
            tpu.yield
          }) : () -> ()
          "tpu.region"() ({
            %run_scoped3A = tpu.sem_alloc : memref<!tpu.dma_semaphore, #tpu.memory_space<semaphore_mem>>
            %dma_start3A_426 = tpu.memref_slice %arg4[%add3A_387] : memref<322560xi32, #tpu.memory_space<hbm>> -> memref<2048xi32, #tpu.memory_space<hbm>>
            %dma_start3A_427 = tpu.memref_slice %arg4[%add3A_387] : memref<322560xi32, #tpu.memory_space<hbm>> -> memref<2048xi32, #tpu.memory_space<hbm>>
            tpu.enqueue_dma source(%dma_start3A_427 : memref<2048xi32, #tpu.memory_space<hbm>>) target(%arg12 : memref<2048xi32, #tpu.memory_space<vmem>>) target_semaphore(%run_scoped3A : memref<!tpu.dma_semaphore, #tpu.memory_space<semaphore_mem>>)
            %dma_wait3A_428 = tpu.memref_slice %arg4[%add3A_387] : memref<322560xi32, #tpu.memory_space<hbm>> -> memref<2048xi32, #tpu.memory_space<hbm>>
            %dma_wait3A_429 = tpu.memref_slice %arg4[%add3A_387] : memref<322560xi32, #tpu.memory_space<hbm>> -> memref<2048xi32, #tpu.memory_space<hbm>>
            tpu.wait_dma2 semaphore(%run_scoped3A : memref<!tpu.dma_semaphore, #tpu.memory_space<semaphore_mem>>) src(%dma_wait3A_429 : memref<2048xi32, #tpu.memory_space<hbm>>) dst(%arg12 : memref<2048xi32, #tpu.memory_space<vmem>>)
            tpu.yield
          }) : () -> ()
          %sub3A_388 = arith.subi %squeeze3A_36, %add3A_387 : i32
          %add3A_389 = arith.constant 15 : i32
          %add3A_390 = arith.addi %sub3A_388, %add3A_389 : i32
          %min3A_391 = arith.constant 2048 : i32
          %min3A_392 = arith.minsi %min3A_391, %add3A_390 : i32
          %jit3A_393 = arith.constant 16 : i32
          %div3A_394 = arith.divsi %min3A_392, %jit3A_393 : i32
          %sign3A_395 = arith.constant 0 : i32
          %sign3A_396 = arith.cmpi sgt, %min3A_392, %sign3A_395 : i32
          %sign3A_397 = arith.extui %sign3A_396 : i1 to i32
          %sign3A_398 = arith.constant 0 : i32
          %sign3A_399 = arith.cmpi slt, %min3A_392, %sign3A_398 : i32
          %sign3A_400 = arith.extui %sign3A_399 : i1 to i32
          %sign3A_401 = arith.subi %sign3A_397, %sign3A_400 : i32
          %sign3A_402 = arith.constant 0 : i32
          %sign3A_403 = arith.cmpi sgt, %jit3A_393, %sign3A_402 : i32
          %sign3A_404 = arith.extui %sign3A_403 : i1 to i32
          %sign3A_405 = arith.constant 0 : i32
          %sign3A_406 = arith.cmpi slt, %jit3A_393, %sign3A_405 : i32
          %sign3A_407 = arith.extui %sign3A_406 : i1 to i32
          %sign3A_408 = arith.subi %sign3A_404, %sign3A_407 : i32
          %ne3A_409 = arith.cmpi ne, %sign3A_401, %sign3A_408 : i32
          %rem3A_410 = arith.remsi %min3A_392, %jit3A_393 : i32
          %ne3A_411 = arith.constant 0 : i32
          %ne3A_412 = arith.cmpi ne, %rem3A_410, %ne3A_411 : i32
          %and3A_413 = arith.andi %ne3A_409, %ne3A_412 : i1
          %sub3A_414 = arith.constant 1 : i32
          %sub3A_415 = arith.subi %div3A_394, %sub3A_414 : i32
          %select_n3A_416 = arith.select %and3A_413, %sub3A_415, %div3A_394 : i32
          %while3A_417 = arith.constant 0 : i32
          %while3A_418 = arith.subi %select_n3A_416, %while3A_417 : i32
          %while3A_419 = arith.addi %while3A_417, %while3A_418 : i32
          %while3A_420 = arith.constant 1 : i32
          %while3A_421 = arith.divsi %while3A_418, %while3A_420 : i32
          %while3A_422 = arith.muli %while3A_421, %while3A_420 : i32
          %while3A_423 = arith.addi %while3A_417, %while3A_422 : i32
          %while3A_424 = arith.constant 1 : i32
          scf.for %while3A_426 = %while3A_417 to %while3A_423 step %while3A_424  : i32 {
            %mul3A_427 = arith.constant 16 : i32
            %mul3A_428 = arith.muli %while3A_426, %mul3A_427 : i32
            %get3A_429 = arith.index_cast %mul3A_428 : i32 to index
            %get3A_430 = tpu.vector_load %arg10[%get3A_429] {strides = array<i32>} : memref<2048xf32, #tpu.memory_space<vmem>>, vector<16xf32>,
            %get3A_431 = arith.index_cast %mul3A_428 : i32 to index
            %get3A_432 = tpu.vector_load %arg11[%get3A_431] {strides = array<i32>} : memref<2048xi32, #tpu.memory_space<vmem>>, vector<16xi32>,
            %get3A_433 = arith.index_cast %mul3A_428 : i32 to index
            %get3A_434 = tpu.vector_load %arg12[%get3A_433] {strides = array<i32>} : memref<2048xi32, #tpu.memory_space<vmem>>, vector<16xi32>,
            %add3A_435 = arith.addi %add3A_387, %mul3A_428 : i32
            %add3A_436 = vector.broadcast %add3A_435 : i32 to vector<16xi32>
            %add3A_437 = arith.addi %add3A_436, %iota3A : vector<16xi32>
            %sub3A_438 = vector.broadcast %mul3A_31 : i32 to vector<16xi32>
            %sub3A_439 = arith.subi %get3A_434, %sub3A_438 : vector<16xi32>
            %ge3A = vector.broadcast %squeeze3A : i32 to vector<16xi32>
            %ge3A_440 = arith.cmpi sge, %add3A_437, %ge3A : vector<16xi32>
            %lt3A_441 = vector.broadcast %squeeze3A_36 : i32 to vector<16xi32>
            %lt3A_442 = arith.cmpi slt, %add3A_437, %lt3A_441 : vector<16xi32>
            %and3A_443 = arith.andi %ge3A_440, %lt3A_442 : vector<16xi1>
            %ge3A_444 = arith.constant 0 : i32
            %ge3A_445 = vector.broadcast %ge3A_444 : i32 to vector<16xi32>
            %ge3A_446 = arith.cmpi sge, %sub3A_439, %ge3A_445 : vector<16xi32>
            %and3A_447 = arith.andi %and3A_443, %ge3A_446 : vector<16xi1>
            %lt3A_448 = arith.constant 40 : i32
            %lt3A_449 = vector.broadcast %lt3A_448 : i32 to vector<16xi32>
            %lt3A_450 = arith.cmpi slt, %sub3A_439, %lt3A_449 : vector<16xi32>
            %and3A_451 = arith.andi %and3A_447, %lt3A_450 : vector<16xi1>
            %and3A_452 = arith.constant 127 : i32
            %and3A_453 = vector.broadcast %and3A_452 : i32 to vector<16xi32>
            %and3A_454 = arith.andi %get3A_432, %and3A_453 : vector<16xi32>
            %gather3A = tpu.vector_load_idx %arg13[%and3A_454] : memref<128xf32, #tpu.memory_space<vmem>>[vector<16xi32>], vector<16xf32>,
            %gather3A_455 = tpu.vector_load_idx %arg14[%and3A_454] : memref<128xf32, #tpu.memory_space<vmem>>[vector<16xi32>], vector<16xf32>,
            %neg3A = arith.constant 0.000000e+00 : f32
            %neg3A_456 = vector.broadcast %neg3A : f32 to vector<16xf32>
            %neg3A_457 = arith.subf %neg3A_456, %gather3A : vector<16xf32>
            %mul3A_458 = arith.mulf %neg3A_457, %get3A_430 : vector<16xf32>
            %exp3A = math.exp %mul3A_458 : vector<16xf32>
            %neg3A_459 = arith.constant 0.000000e+00 : f32
            %neg3A_460 = vector.broadcast %neg3A_459 : f32 to vector<16xf32>
            %neg3A_461 = arith.subf %neg3A_460, %gather3A_455 : vector<16xf32>
            %mul3A_462 = arith.mulf %neg3A_461, %get3A_430 : vector<16xf32>
            %exp3A_463 = math.exp %mul3A_462 : vector<16xf32>
            %shift_right_arithmetic3A = arith.constant 6 : i32
            %shift_right_arithmetic3A_464 = vector.broadcast %shift_right_arithmetic3A : i32 to vector<16xi32>
            %shift_right_arithmetic3A_465 = arith.shrsi %get3A_432, %shift_right_arithmetic3A_464 : vector<16xi32>
            %mul3A_466 = arith.constant 5120 : i32
            %mul3A_467 = vector.broadcast %mul3A_466 : i32 to vector<16xi32>
            %mul3A_468 = arith.muli %shift_right_arithmetic3A_465, %mul3A_467 : vector<16xi32>
            %shift_left3A = arith.constant 7 : i32
            %shift_left3A_469 = vector.broadcast %shift_left3A : i32 to vector<16xi32>
            %shift_left3A_470 = arith.shli %sub3A_439, %shift_left3A_469 : vector<16xi32>
            %add3A_471 = arith.addi %mul3A_468, %shift_left3A_470 : vector<16xi32>
            %and3A_472 = arith.constant 63 : i32
            %and3A_473 = vector.broadcast %and3A_472 : i32 to vector<16xi32>
            %and3A_474 = arith.andi %get3A_432, %and3A_473 : vector<16xi32>
            %shift_left3A_475 = arith.constant 1 : i32
            %shift_left3A_476 = vector.broadcast %shift_left3A_475 : i32 to vector<16xi32>
            %shift_left3A_477 = arith.shli %and3A_474, %shift_left3A_476 : vector<16xi32>
            %add3A_478 = arith.addi %add3A_471, %shift_left3A_477 : vector<16xi32>
            tpu.vector_store_idx %arg9[%add3A_478], %exp3A masked %and3A_451 {add = true} : memref<92160xf32, #tpu.memory_space<vmem>>[vector<16xi32>], vector<16xf32>, vector<16xi1>
            %add3A_479 = arith.constant 1 : i32
            %add3A_480 = vector.broadcast %add3A_479 : i32 to vector<16xi32>
            %add3A_481 = arith.addi %add3A_478, %add3A_480 : vector<16xi32>
            tpu.vector_store_idx %arg9[%add3A_481], %exp3A_463 masked %and3A_451 {add = true} : memref<92160xf32, #tpu.memory_space<vmem>>[vector<16xi32>], vector<16xf32>, vector<16xi1>
          }
          %while3A_425 = arith.constant 1 : i32
          scf.for %while3A_426 = %while3A_423 to %while3A_419 step %while3A_425  : i32 {
            %mul3A_427 = arith.constant 16 : i32
            %mul3A_428 = arith.muli %while3A_426, %mul3A_427 : i32
            %get3A_429 = arith.index_cast %mul3A_428 : i32 to index
            %get3A_430 = tpu.vector_load %arg10[%get3A_429] {strides = array<i32>} : memref<2048xf32, #tpu.memory_space<vmem>>, vector<16xf32>,
            %get3A_431 = arith.index_cast %mul3A_428 : i32 to index
            %get3A_432 = tpu.vector_load %arg11[%get3A_431] {strides = array<i32>} : memref<2048xi32, #tpu.memory_space<vmem>>, vector<16xi32>,
            %get3A_433 = arith.index_cast %mul3A_428 : i32 to index
            %get3A_434 = tpu.vector_load %arg12[%get3A_433] {strides = array<i32>} : memref<2048xi32, #tpu.memory_space<vmem>>, vector<16xi32>,
            %add3A_435 = arith.addi %add3A_387, %mul3A_428 : i32
            %add3A_436 = vector.broadcast %add3A_435 : i32 to vector<16xi32>
            %add3A_437 = arith.addi %add3A_436, %iota3A : vector<16xi32>
            %sub3A_438 = vector.broadcast %mul3A_31 : i32 to vector<16xi32>
            %sub3A_439 = arith.subi %get3A_434, %sub3A_438 : vector<16xi32>
            %ge3A = vector.broadcast %squeeze3A : i32 to vector<16xi32>
            %ge3A_440 = arith.cmpi sge, %add3A_437, %ge3A : vector<16xi32>
            %lt3A_441 = vector.broadcast %squeeze3A_36 : i32 to vector<16xi32>
            %lt3A_442 = arith.cmpi slt, %add3A_437, %lt3A_441 : vector<16xi32>
            %and3A_443 = arith.andi %ge3A_440, %lt3A_442 : vector<16xi1>
            %ge3A_444 = arith.constant 0 : i32
            %ge3A_445 = vector.broadcast %ge3A_444 : i32 to vector<16xi32>
            %ge3A_446 = arith.cmpi sge, %sub3A_439, %ge3A_445 : vector<16xi32>
            %and3A_447 = arith.andi %and3A_443, %ge3A_446 : vector<16xi1>
            %lt3A_448 = arith.constant 40 : i32
            %lt3A_449 = vector.broadcast %lt3A_448 : i32 to vector<16xi32>
            %lt3A_450 = arith.cmpi slt, %sub3A_439, %lt3A_449 : vector<16xi32>
            %and3A_451 = arith.andi %and3A_447, %lt3A_450 : vector<16xi1>
            %and3A_452 = arith.constant 127 : i32
            %and3A_453 = vector.broadcast %and3A_452 : i32 to vector<16xi32>
            %and3A_454 = arith.andi %get3A_432, %and3A_453 : vector<16xi32>
            %gather3A = tpu.vector_load_idx %arg13[%and3A_454] : memref<128xf32, #tpu.memory_space<vmem>>[vector<16xi32>], vector<16xf32>,
            %gather3A_455 = tpu.vector_load_idx %arg14[%and3A_454] : memref<128xf32, #tpu.memory_space<vmem>>[vector<16xi32>], vector<16xf32>,
            %neg3A = arith.constant 0.000000e+00 : f32
            %neg3A_456 = vector.broadcast %neg3A : f32 to vector<16xf32>
            %neg3A_457 = arith.subf %neg3A_456, %gather3A : vector<16xf32>
            %mul3A_458 = arith.mulf %neg3A_457, %get3A_430 : vector<16xf32>
            %exp3A = math.exp %mul3A_458 : vector<16xf32>
            %neg3A_459 = arith.constant 0.000000e+00 : f32
            %neg3A_460 = vector.broadcast %neg3A_459 : f32 to vector<16xf32>
            %neg3A_461 = arith.subf %neg3A_460, %gather3A_455 : vector<16xf32>
            %mul3A_462 = arith.mulf %neg3A_461, %get3A_430 : vector<16xf32>
            %exp3A_463 = math.exp %mul3A_462 : vector<16xf32>
            %shift_right_arithmetic3A = arith.constant 6 : i32
            %shift_right_arithmetic3A_464 = vector.broadcast %shift_right_arithmetic3A : i32 to vector<16xi32>
            %shift_right_arithmetic3A_465 = arith.shrsi %get3A_432, %shift_right_arithmetic3A_464 : vector<16xi32>
            %mul3A_466 = arith.constant 5120 : i32
            %mul3A_467 = vector.broadcast %mul3A_466 : i32 to vector<16xi32>
            %mul3A_468 = arith.muli %shift_right_arithmetic3A_465, %mul3A_467 : vector<16xi32>
            %shift_left3A = arith.constant 7 : i32
            %shift_left3A_469 = vector.broadcast %shift_left3A : i32 to vector<16xi32>
            %shift_left3A_470 = arith.shli %sub3A_439, %shift_left3A_469 : vector<16xi32>
            %add3A_471 = arith.addi %mul3A_468, %shift_left3A_470 : vector<16xi32>
            %and3A_472 = arith.constant 63 : i32
            %and3A_473 = vector.broadcast %and3A_472 : i32 to vector<16xi32>
            %and3A_474 = arith.andi %get3A_432, %and3A_473 : vector<16xi32>
            %shift_left3A_475 = arith.constant 1 : i32
            %shift_left3A_476 = vector.broadcast %shift_left3A_475 : i32 to vector<16xi32>
            %shift_left3A_477 = arith.shli %and3A_474, %shift_left3A_476 : vector<16xi32>
            %add3A_478 = arith.addi %add3A_471, %shift_left3A_477 : vector<16xi32>
            tpu.vector_store_idx %arg9[%add3A_478], %exp3A masked %and3A_451 {add = true} : memref<92160xf32, #tpu.memory_space<vmem>>[vector<16xi32>], vector<16xf32>, vector<16xi1>
            %add3A_479 = arith.constant 1 : i32
            %add3A_480 = vector.broadcast %add3A_479 : i32 to vector<16xi32>
            %add3A_481 = arith.addi %add3A_478, %add3A_480 : vector<16xi32>
            tpu.vector_store_idx %arg9[%add3A_481], %exp3A_463 masked %and3A_451 {add = true} : memref<92160xf32, #tpu.memory_space<vmem>>[vector<16xi32>], vector<16xf32>, vector<16xi1>
          }
        }
        %while3A_97 = arith.constant 1 : i32
        scf.for %while3A_384 = %while3A_95 to %while3A_91 step %while3A_97  : i32 {
          %mul3A_385 = arith.constant 2048 : i32
          %mul3A_386 = arith.muli %while3A_384, %mul3A_385 : i32
          %add3A_387 = arith.addi %mul3A_59, %mul3A_386 : i32
          "tpu.region"() ({
            %run_scoped3A = tpu.sem_alloc : memref<!tpu.dma_semaphore, #tpu.memory_space<semaphore_mem>>
            %dma_start3A_426 = tpu.memref_slice %arg2[%add3A_387] : memref<322560xf32, #tpu.memory_space<hbm>> -> memref<2048xf32, #tpu.memory_space<hbm>>
            %dma_start3A_427 = tpu.memref_slice %arg2[%add3A_387] : memref<322560xf32, #tpu.memory_space<hbm>> -> memref<2048xf32, #tpu.memory_space<hbm>>
            tpu.enqueue_dma source(%dma_start3A_427 : memref<2048xf32, #tpu.memory_space<hbm>>) target(%arg10 : memref<2048xf32, #tpu.memory_space<vmem>>) target_semaphore(%run_scoped3A : memref<!tpu.dma_semaphore, #tpu.memory_space<semaphore_mem>>)
            %dma_wait3A_428 = tpu.memref_slice %arg2[%add3A_387] : memref<322560xf32, #tpu.memory_space<hbm>> -> memref<2048xf32, #tpu.memory_space<hbm>>
            %dma_wait3A_429 = tpu.memref_slice %arg2[%add3A_387] : memref<322560xf32, #tpu.memory_space<hbm>> -> memref<2048xf32, #tpu.memory_space<hbm>>
            tpu.wait_dma2 semaphore(%run_scoped3A : memref<!tpu.dma_semaphore, #tpu.memory_space<semaphore_mem>>) src(%dma_wait3A_429 : memref<2048xf32, #tpu.memory_space<hbm>>) dst(%arg10 : memref<2048xf32, #tpu.memory_space<vmem>>)
            tpu.yield
          }) : () -> ()
          "tpu.region"() ({
            %run_scoped3A = tpu.sem_alloc : memref<!tpu.dma_semaphore, #tpu.memory_space<semaphore_mem>>
            %dma_start3A_426 = tpu.memref_slice %arg3[%add3A_387] : memref<322560xi32, #tpu.memory_space<hbm>> -> memref<2048xi32, #tpu.memory_space<hbm>>
            %dma_start3A_427 = tpu.memref_slice %arg3[%add3A_387] : memref<322560xi32, #tpu.memory_space<hbm>> -> memref<2048xi32, #tpu.memory_space<hbm>>
            tpu.enqueue_dma source(%dma_start3A_427 : memref<2048xi32, #tpu.memory_space<hbm>>) target(%arg11 : memref<2048xi32, #tpu.memory_space<vmem>>) target_semaphore(%run_scoped3A : memref<!tpu.dma_semaphore, #tpu.memory_space<semaphore_mem>>)
            %dma_wait3A_428 = tpu.memref_slice %arg3[%add3A_387] : memref<322560xi32, #tpu.memory_space<hbm>> -> memref<2048xi32, #tpu.memory_space<hbm>>
            %dma_wait3A_429 = tpu.memref_slice %arg3[%add3A_387] : memref<322560xi32, #tpu.memory_space<hbm>> -> memref<2048xi32, #tpu.memory_space<hbm>>
            tpu.wait_dma2 semaphore(%run_scoped3A : memref<!tpu.dma_semaphore, #tpu.memory_space<semaphore_mem>>) src(%dma_wait3A_429 : memref<2048xi32, #tpu.memory_space<hbm>>) dst(%arg11 : memref<2048xi32, #tpu.memory_space<vmem>>)
            tpu.yield
          }) : () -> ()
          "tpu.region"() ({
            %run_scoped3A = tpu.sem_alloc : memref<!tpu.dma_semaphore, #tpu.memory_space<semaphore_mem>>
            %dma_start3A_426 = tpu.memref_slice %arg4[%add3A_387] : memref<322560xi32, #tpu.memory_space<hbm>> -> memref<2048xi32, #tpu.memory_space<hbm>>
            %dma_start3A_427 = tpu.memref_slice %arg4[%add3A_387] : memref<322560xi32, #tpu.memory_space<hbm>> -> memref<2048xi32, #tpu.memory_space<hbm>>
            tpu.enqueue_dma source(%dma_start3A_427 : memref<2048xi32, #tpu.memory_space<hbm>>) target(%arg12 : memref<2048xi32, #tpu.memory_space<vmem>>) target_semaphore(%run_scoped3A : memref<!tpu.dma_semaphore, #tpu.memory_space<semaphore_mem>>)
            %dma_wait3A_428 = tpu.memref_slice %arg4[%add3A_387] : memref<322560xi32, #tpu.memory_space<hbm>> -> memref<2048xi32, #tpu.memory_space<hbm>>
            %dma_wait3A_429 = tpu.memref_slice %arg4[%add3A_387] : memref<322560xi32, #tpu.memory_space<hbm>> -> memref<2048xi32, #tpu.memory_space<hbm>>
            tpu.wait_dma2 semaphore(%run_scoped3A : memref<!tpu.dma_semaphore, #tpu.memory_space<semaphore_mem>>) src(%dma_wait3A_429 : memref<2048xi32, #tpu.memory_space<hbm>>) dst(%arg12 : memref<2048xi32, #tpu.memory_space<vmem>>)
            tpu.yield
          }) : () -> ()
          %sub3A_388 = arith.subi %squeeze3A_36, %add3A_387 : i32
          %add3A_389 = arith.constant 15 : i32
          %add3A_390 = arith.addi %sub3A_388, %add3A_389 : i32
          %min3A_391 = arith.constant 2048 : i32
          %min3A_392 = arith.minsi %min3A_391, %add3A_390 : i32
          %jit3A_393 = arith.constant 16 : i32
          %div3A_394 = arith.divsi %min3A_392, %jit3A_393 : i32
          %sign3A_395 = arith.constant 0 : i32
          %sign3A_396 = arith.cmpi sgt, %min3A_392, %sign3A_395 : i32
          %sign3A_397 = arith.extui %sign3A_396 : i1 to i32
          %sign3A_398 = arith.constant 0 : i32
          %sign3A_399 = arith.cmpi slt, %min3A_392, %sign3A_398 : i32
          %sign3A_400 = arith.extui %sign3A_399 : i1 to i32
          %sign3A_401 = arith.subi %sign3A_397, %sign3A_400 : i32
          %sign3A_402 = arith.constant 0 : i32
          %sign3A_403 = arith.cmpi sgt, %jit3A_393, %sign3A_402 : i32
          %sign3A_404 = arith.extui %sign3A_403 : i1 to i32
          %sign3A_405 = arith.constant 0 : i32
          %sign3A_406 = arith.cmpi slt, %jit3A_393, %sign3A_405 : i32
          %sign3A_407 = arith.extui %sign3A_406 : i1 to i32
          %sign3A_408 = arith.subi %sign3A_404, %sign3A_407 : i32
          %ne3A_409 = arith.cmpi ne, %sign3A_401, %sign3A_408 : i32
          %rem3A_410 = arith.remsi %min3A_392, %jit3A_393 : i32
          %ne3A_411 = arith.constant 0 : i32
          %ne3A_412 = arith.cmpi ne, %rem3A_410, %ne3A_411 : i32
          %and3A_413 = arith.andi %ne3A_409, %ne3A_412 : i1
          %sub3A_414 = arith.constant 1 : i32
          %sub3A_415 = arith.subi %div3A_394, %sub3A_414 : i32
          %select_n3A_416 = arith.select %and3A_413, %sub3A_415, %div3A_394 : i32
          %while3A_417 = arith.constant 0 : i32
          %while3A_418 = arith.subi %select_n3A_416, %while3A_417 : i32
          %while3A_419 = arith.addi %while3A_417, %while3A_418 : i32
          %while3A_420 = arith.constant 1 : i32
          %while3A_421 = arith.divsi %while3A_418, %while3A_420 : i32
          %while3A_422 = arith.muli %while3A_421, %while3A_420 : i32
          %while3A_423 = arith.addi %while3A_417, %while3A_422 : i32
          %while3A_424 = arith.constant 1 : i32
          scf.for %while3A_426 = %while3A_417 to %while3A_423 step %while3A_424  : i32 {
            %mul3A_427 = arith.constant 16 : i32
            %mul3A_428 = arith.muli %while3A_426, %mul3A_427 : i32
            %get3A_429 = arith.index_cast %mul3A_428 : i32 to index
            %get3A_430 = tpu.vector_load %arg10[%get3A_429] {strides = array<i32>} : memref<2048xf32, #tpu.memory_space<vmem>>, vector<16xf32>,
            %get3A_431 = arith.index_cast %mul3A_428 : i32 to index
            %get3A_432 = tpu.vector_load %arg11[%get3A_431] {strides = array<i32>} : memref<2048xi32, #tpu.memory_space<vmem>>, vector<16xi32>,
            %get3A_433 = arith.index_cast %mul3A_428 : i32 to index
            %get3A_434 = tpu.vector_load %arg12[%get3A_433] {strides = array<i32>} : memref<2048xi32, #tpu.memory_space<vmem>>, vector<16xi32>,
            %add3A_435 = arith.addi %add3A_387, %mul3A_428 : i32
            %add3A_436 = vector.broadcast %add3A_435 : i32 to vector<16xi32>
            %add3A_437 = arith.addi %add3A_436, %iota3A : vector<16xi32>
            %sub3A_438 = vector.broadcast %mul3A_31 : i32 to vector<16xi32>
            %sub3A_439 = arith.subi %get3A_434, %sub3A_438 : vector<16xi32>
            %ge3A = vector.broadcast %squeeze3A : i32 to vector<16xi32>
            %ge3A_440 = arith.cmpi sge, %add3A_437, %ge3A : vector<16xi32>
            %lt3A_441 = vector.broadcast %squeeze3A_36 : i32 to vector<16xi32>
            %lt3A_442 = arith.cmpi slt, %add3A_437, %lt3A_441 : vector<16xi32>
            %and3A_443 = arith.andi %ge3A_440, %lt3A_442 : vector<16xi1>
            %ge3A_444 = arith.constant 0 : i32
            %ge3A_445 = vector.broadcast %ge3A_444 : i32 to vector<16xi32>
            %ge3A_446 = arith.cmpi sge, %sub3A_439, %ge3A_445 : vector<16xi32>
            %and3A_447 = arith.andi %and3A_443, %ge3A_446 : vector<16xi1>
            %lt3A_448 = arith.constant 40 : i32
            %lt3A_449 = vector.broadcast %lt3A_448 : i32 to vector<16xi32>
            %lt3A_450 = arith.cmpi slt, %sub3A_439, %lt3A_449 : vector<16xi32>
            %and3A_451 = arith.andi %and3A_447, %lt3A_450 : vector<16xi1>
            %and3A_452 = arith.constant 127 : i32
            %and3A_453 = vector.broadcast %and3A_452 : i32 to vector<16xi32>
            %and3A_454 = arith.andi %get3A_432, %and3A_453 : vector<16xi32>
            %gather3A = tpu.vector_load_idx %arg13[%and3A_454] : memref<128xf32, #tpu.memory_space<vmem>>[vector<16xi32>], vector<16xf32>,
            %gather3A_455 = tpu.vector_load_idx %arg14[%and3A_454] : memref<128xf32, #tpu.memory_space<vmem>>[vector<16xi32>], vector<16xf32>,
            %neg3A = arith.constant 0.000000e+00 : f32
            %neg3A_456 = vector.broadcast %neg3A : f32 to vector<16xf32>
            %neg3A_457 = arith.subf %neg3A_456, %gather3A : vector<16xf32>
            %mul3A_458 = arith.mulf %neg3A_457, %get3A_430 : vector<16xf32>
            %exp3A = math.exp %mul3A_458 : vector<16xf32>
            %neg3A_459 = arith.constant 0.000000e+00 : f32
            %neg3A_460 = vector.broadcast %neg3A_459 : f32 to vector<16xf32>
            %neg3A_461 = arith.subf %neg3A_460, %gather3A_455 : vector<16xf32>
            %mul3A_462 = arith.mulf %neg3A_461, %get3A_430 : vector<16xf32>
            %exp3A_463 = math.exp %mul3A_462 : vector<16xf32>
            %shift_right_arithmetic3A = arith.constant 6 : i32
            %shift_right_arithmetic3A_464 = vector.broadcast %shift_right_arithmetic3A : i32 to vector<16xi32>
            %shift_right_arithmetic3A_465 = arith.shrsi %get3A_432, %shift_right_arithmetic3A_464 : vector<16xi32>
            %mul3A_466 = arith.constant 5120 : i32
            %mul3A_467 = vector.broadcast %mul3A_466 : i32 to vector<16xi32>
            %mul3A_468 = arith.muli %shift_right_arithmetic3A_465, %mul3A_467 : vector<16xi32>
            %shift_left3A = arith.constant 7 : i32
            %shift_left3A_469 = vector.broadcast %shift_left3A : i32 to vector<16xi32>
            %shift_left3A_470 = arith.shli %sub3A_439, %shift_left3A_469 : vector<16xi32>
            %add3A_471 = arith.addi %mul3A_468, %shift_left3A_470 : vector<16xi32>
            %and3A_472 = arith.constant 63 : i32
            %and3A_473 = vector.broadcast %and3A_472 : i32 to vector<16xi32>
            %and3A_474 = arith.andi %get3A_432, %and3A_473 : vector<16xi32>
            %shift_left3A_475 = arith.constant 1 : i32
            %shift_left3A_476 = vector.broadcast %shift_left3A_475 : i32 to vector<16xi32>
            %shift_left3A_477 = arith.shli %and3A_474, %shift_left3A_476 : vector<16xi32>
            %add3A_478 = arith.addi %add3A_471, %shift_left3A_477 : vector<16xi32>
            tpu.vector_store_idx %arg9[%add3A_478], %exp3A masked %and3A_451 {add = true} : memref<92160xf32, #tpu.memory_space<vmem>>[vector<16xi32>], vector<16xf32>, vector<16xi1>
            %add3A_479 = arith.constant 1 : i32
            %add3A_480 = vector.broadcast %add3A_479 : i32 to vector<16xi32>
            %add3A_481 = arith.addi %add3A_478, %add3A_480 : vector<16xi32>
            tpu.vector_store_idx %arg9[%add3A_481], %exp3A_463 masked %and3A_451 {add = true} : memref<92160xf32, #tpu.memory_space<vmem>>[vector<16xi32>], vector<16xf32>, vector<16xi1>
          }
          %while3A_425 = arith.constant 1 : i32
          scf.for %while3A_426 = %while3A_423 to %while3A_419 step %while3A_425  : i32 {
            %mul3A_427 = arith.constant 16 : i32
            %mul3A_428 = arith.muli %while3A_426, %mul3A_427 : i32
            %get3A_429 = arith.index_cast %mul3A_428 : i32 to index
            %get3A_430 = tpu.vector_load %arg10[%get3A_429] {strides = array<i32>} : memref<2048xf32, #tpu.memory_space<vmem>>, vector<16xf32>,
            %get3A_431 = arith.index_cast %mul3A_428 : i32 to index
            %get3A_432 = tpu.vector_load %arg11[%get3A_431] {strides = array<i32>} : memref<2048xi32, #tpu.memory_space<vmem>>, vector<16xi32>,
            %get3A_433 = arith.index_cast %mul3A_428 : i32 to index
            %get3A_434 = tpu.vector_load %arg12[%get3A_433] {strides = array<i32>} : memref<2048xi32, #tpu.memory_space<vmem>>, vector<16xi32>,
            %add3A_435 = arith.addi %add3A_387, %mul3A_428 : i32
            %add3A_436 = vector.broadcast %add3A_435 : i32 to vector<16xi32>
            %add3A_437 = arith.addi %add3A_436, %iota3A : vector<16xi32>
            %sub3A_438 = vector.broadcast %mul3A_31 : i32 to vector<16xi32>
            %sub3A_439 = arith.subi %get3A_434, %sub3A_438 : vector<16xi32>
            %ge3A = vector.broadcast %squeeze3A : i32 to vector<16xi32>
            %ge3A_440 = arith.cmpi sge, %add3A_437, %ge3A : vector<16xi32>
            %lt3A_441 = vector.broadcast %squeeze3A_36 : i32 to vector<16xi32>
            %lt3A_442 = arith.cmpi slt, %add3A_437, %lt3A_441 : vector<16xi32>
            %and3A_443 = arith.andi %ge3A_440, %lt3A_442 : vector<16xi1>
            %ge3A_444 = arith.constant 0 : i32
            %ge3A_445 = vector.broadcast %ge3A_444 : i32 to vector<16xi32>
            %ge3A_446 = arith.cmpi sge, %sub3A_439, %ge3A_445 : vector<16xi32>
            %and3A_447 = arith.andi %and3A_443, %ge3A_446 : vector<16xi1>
            %lt3A_448 = arith.constant 40 : i32
            %lt3A_449 = vector.broadcast %lt3A_448 : i32 to vector<16xi32>
            %lt3A_450 = arith.cmpi slt, %sub3A_439, %lt3A_449 : vector<16xi32>
            %and3A_451 = arith.andi %and3A_447, %lt3A_450 : vector<16xi1>
            %and3A_452 = arith.constant 127 : i32
            %and3A_453 = vector.broadcast %and3A_452 : i32 to vector<16xi32>
            %and3A_454 = arith.andi %get3A_432, %and3A_453 : vector<16xi32>
            %gather3A = tpu.vector_load_idx %arg13[%and3A_454] : memref<128xf32, #tpu.memory_space<vmem>>[vector<16xi32>], vector<16xf32>,
            %gather3A_455 = tpu.vector_load_idx %arg14[%and3A_454] : memref<128xf32, #tpu.memory_space<vmem>>[vector<16xi32>], vector<16xf32>,
            %neg3A = arith.constant 0.000000e+00 : f32
            %neg3A_456 = vector.broadcast %neg3A : f32 to vector<16xf32>
            %neg3A_457 = arith.subf %neg3A_456, %gather3A : vector<16xf32>
            %mul3A_458 = arith.mulf %neg3A_457, %get3A_430 : vector<16xf32>
            %exp3A = math.exp %mul3A_458 : vector<16xf32>
            %neg3A_459 = arith.constant 0.000000e+00 : f32
            %neg3A_460 = vector.broadcast %neg3A_459 : f32 to vector<16xf32>
            %neg3A_461 = arith.subf %neg3A_460, %gather3A_455 : vector<16xf32>
            %mul3A_462 = arith.mulf %neg3A_461, %get3A_430 : vector<16xf32>
            %exp3A_463 = math.exp %mul3A_462 : vector<16xf32>
            %shift_right_arithmetic3A = arith.constant 6 : i32
            %shift_right_arithmetic3A_464 = vector.broadcast %shift_right_arithmetic3A : i32 to vector<16xi32>
            %shift_right_arithmetic3A_465 = arith.shrsi %get3A_432, %shift_right_arithmetic3A_464 : vector<16xi32>
            %mul3A_466 = arith.constant 5120 : i32
            %mul3A_467 = vector.broadcast %mul3A_466 : i32 to vector<16xi32>
            %mul3A_468 = arith.muli %shift_right_arithmetic3A_465, %mul3A_467 : vector<16xi32>
            %shift_left3A = arith.constant 7 : i32
            %shift_left3A_469 = vector.broadcast %shift_left3A : i32 to vector<16xi32>
            %shift_left3A_470 = arith.shli %sub3A_439, %shift_left3A_469 : vector<16xi32>
            %add3A_471 = arith.addi %mul3A_468, %shift_left3A_470 : vector<16xi32>
            %and3A_472 = arith.constant 63 : i32
            %and3A_473 = vector.broadcast %and3A_472 : i32 to vector<16xi32>
            %and3A_474 = arith.andi %get3A_432, %and3A_473 : vector<16xi32>
            %shift_left3A_475 = arith.constant 1 : i32
            %shift_left3A_476 = vector.broadcast %shift_left3A_475 : i32 to vector<16xi32>
            %shift_left3A_477 = arith.shli %and3A_474, %shift_left3A_476 : vector<16xi32>
            %add3A_478 = arith.addi %add3A_471, %shift_left3A_477 : vector<16xi32>
            tpu.vector_store_idx %arg9[%add3A_478], %exp3A masked %and3A_451 {add = true} : memref<92160xf32, #tpu.memory_space<vmem>>[vector<16xi32>], vector<16xf32>, vector<16xi1>
            %add3A_479 = arith.constant 1 : i32
            %add3A_480 = vector.broadcast %add3A_479 : i32 to vector<16xi32>
            %add3A_481 = arith.addi %add3A_478, %add3A_480 : vector<16xi32>
            tpu.vector_store_idx %arg9[%add3A_481], %exp3A_463 masked %and3A_451 {add = true} : memref<92160xf32, #tpu.memory_space<vmem>>[vector<16xi32>], vector<16xf32>, vector<16xi1>
          }
        }
        %mul3A_98 = arith.constant 128 : i32
        %mul3A_99 = arith.muli %mul3A_31, %mul3A_98 : i32
        %add3A_100 = arith.constant 0 : i32
        %add3A_101 = arith.addi %add3A_100, %mul3A_99 : i32
        %dma_start3A = arith.constant 0 : i32
        %dma_start3A_102 = tpu.memref_slice %arg9[%dma_start3A] : memref<92160xf32, #tpu.memory_space<vmem>> -> memref<5120xf32, #tpu.memory_space<vmem>>
        %dma_start3A_103 = tpu.memref_slice %arg8[%add3A_101] : memref<23040000xf32, #tpu.memory_space<hbm>> -> memref<5120xf32, #tpu.memory_space<hbm>>
        %dma_start3A_104 = tpu.memref_slice %arg8[%add3A_101] : memref<23040000xf32, #tpu.memory_space<hbm>> -> memref<5120xf32, #tpu.memory_space<hbm>>
        %dma_start3A_105 = arith.constant 0 : i32
        %dma_start3A_106 = tpu.memref_slice %arg9[%dma_start3A_105] : memref<92160xf32, #tpu.memory_space<vmem>> -> memref<5120xf32, #tpu.memory_space<vmem>>
        tpu.enqueue_dma source(%dma_start3A_106 : memref<5120xf32, #tpu.memory_space<vmem>>) target(%dma_start3A_104 : memref<5120xf32, #tpu.memory_space<hbm>>) target_semaphore(%arg18 : memref<!tpu.dma_semaphore, #tpu.memory_space<semaphore_mem>>)
        %mul3A_107 = arith.constant 128 : i32
        %mul3A_108 = arith.muli %mul3A_31, %mul3A_107 : i32
        %add3A_109 = arith.constant 1280000 : i32
        %add3A_110 = arith.addi %add3A_109, %mul3A_108 : i32
        %dma_start3A_111 = arith.constant 5120 : i32
        %dma_start3A_112 = tpu.memref_slice %arg9[%dma_start3A_111] : memref<92160xf32, #tpu.memory_space<vmem>> -> memref<5120xf32, #tpu.memory_space<vmem>>
        %dma_start3A_113 = tpu.memref_slice %arg8[%add3A_110] : memref<23040000xf32, #tpu.memory_space<hbm>> -> memref<5120xf32, #tpu.memory_space<hbm>>
        %dma_start3A_114 = tpu.memref_slice %arg8[%add3A_110] : memref<23040000xf32, #tpu.memory_space<hbm>> -> memref<5120xf32, #tpu.memory_space<hbm>>
        %dma_start3A_115 = arith.constant 5120 : i32
        %dma_start3A_116 = tpu.memref_slice %arg9[%dma_start3A_115] : memref<92160xf32, #tpu.memory_space<vmem>> -> memref<5120xf32, #tpu.memory_space<vmem>>
        tpu.enqueue_dma source(%dma_start3A_116 : memref<5120xf32, #tpu.memory_space<vmem>>) target(%dma_start3A_114 : memref<5120xf32, #tpu.memory_space<hbm>>) target_semaphore(%arg18 : memref<!tpu.dma_semaphore, #tpu.memory_space<semaphore_mem>>)
        %mul3A_117 = arith.constant 128 : i32
        %mul3A_118 = arith.muli %mul3A_31, %mul3A_117 : i32
        %add3A_119 = arith.constant 2560000 : i32
        %add3A_120 = arith.addi %add3A_119, %mul3A_118 : i32
        %dma_start3A_121 = arith.constant 10240 : i32
        %dma_start3A_122 = tpu.memref_slice %arg9[%dma_start3A_121] : memref<92160xf32, #tpu.memory_space<vmem>> -> memref<5120xf32, #tpu.memory_space<vmem>>
        %dma_start3A_123 = tpu.memref_slice %arg8[%add3A_120] : memref<23040000xf32, #tpu.memory_space<hbm>> -> memref<5120xf32, #tpu.memory_space<hbm>>
        %dma_start3A_124 = tpu.memref_slice %arg8[%add3A_120] : memref<23040000xf32, #tpu.memory_space<hbm>> -> memref<5120xf32, #tpu.memory_space<hbm>>
        %dma_start3A_125 = arith.constant 10240 : i32
        %dma_start3A_126 = tpu.memref_slice %arg9[%dma_start3A_125] : memref<92160xf32, #tpu.memory_space<vmem>> -> memref<5120xf32, #tpu.memory_space<vmem>>
        tpu.enqueue_dma source(%dma_start3A_126 : memref<5120xf32, #tpu.memory_space<vmem>>) target(%dma_start3A_124 : memref<5120xf32, #tpu.memory_space<hbm>>) target_semaphore(%arg18 : memref<!tpu.dma_semaphore, #tpu.memory_space<semaphore_mem>>)
        %mul3A_127 = arith.constant 128 : i32
        %mul3A_128 = arith.muli %mul3A_31, %mul3A_127 : i32
        %add3A_129 = arith.constant 3840000 : i32
        %add3A_130 = arith.addi %add3A_129, %mul3A_128 : i32
        %dma_start3A_131 = arith.constant 15360 : i32
        %dma_start3A_132 = tpu.memref_slice %arg9[%dma_start3A_131] : memref<92160xf32, #tpu.memory_space<vmem>> -> memref<5120xf32, #tpu.memory_space<vmem>>
        %dma_start3A_133 = tpu.memref_slice %arg8[%add3A_130] : memref<23040000xf32, #tpu.memory_space<hbm>> -> memref<5120xf32, #tpu.memory_space<hbm>>
        %dma_start3A_134 = tpu.memref_slice %arg8[%add3A_130] : memref<23040000xf32, #tpu.memory_space<hbm>> -> memref<5120xf32, #tpu.memory_space<hbm>>
        %dma_start3A_135 = arith.constant 15360 : i32
        %dma_start3A_136 = tpu.memref_slice %arg9[%dma_start3A_135] : memref<92160xf32, #tpu.memory_space<vmem>> -> memref<5120xf32, #tpu.memory_space<vmem>>
        tpu.enqueue_dma source(%dma_start3A_136 : memref<5120xf32, #tpu.memory_space<vmem>>) target(%dma_start3A_134 : memref<5120xf32, #tpu.memory_space<hbm>>) target_semaphore(%arg18 : memref<!tpu.dma_semaphore, #tpu.memory_space<semaphore_mem>>)
        %mul3A_137 = arith.constant 128 : i32
        %mul3A_138 = arith.muli %mul3A_31, %mul3A_137 : i32
        %add3A_139 = arith.constant 5120000 : i32
        %add3A_140 = arith.addi %add3A_139, %mul3A_138 : i32
        %dma_start3A_141 = arith.constant 20480 : i32
        %dma_start3A_142 = tpu.memref_slice %arg9[%dma_start3A_141] : memref<92160xf32, #tpu.memory_space<vmem>> -> memref<5120xf32, #tpu.memory_space<vmem>>
        %dma_start3A_143 = tpu.memref_slice %arg8[%add3A_140] : memref<23040000xf32, #tpu.memory_space<hbm>> -> memref<5120xf32, #tpu.memory_space<hbm>>
        %dma_start3A_144 = tpu.memref_slice %arg8[%add3A_140] : memref<23040000xf32, #tpu.memory_space<hbm>> -> memref<5120xf32, #tpu.memory_space<hbm>>
        %dma_start3A_145 = arith.constant 20480 : i32
        %dma_start3A_146 = tpu.memref_slice %arg9[%dma_start3A_145] : memref<92160xf32, #tpu.memory_space<vmem>> -> memref<5120xf32, #tpu.memory_space<vmem>>
        tpu.enqueue_dma source(%dma_start3A_146 : memref<5120xf32, #tpu.memory_space<vmem>>) target(%dma_start3A_144 : memref<5120xf32, #tpu.memory_space<hbm>>) target_semaphore(%arg18 : memref<!tpu.dma_semaphore, #tpu.memory_space<semaphore_mem>>)
        %mul3A_147 = arith.constant 128 : i32
        %mul3A_148 = arith.muli %mul3A_31, %mul3A_147 : i32
        %add3A_149 = arith.constant 6400000 : i32
        %add3A_150 = arith.addi %add3A_149, %mul3A_148 : i32
        %dma_start3A_151 = arith.constant 25600 : i32
        %dma_start3A_152 = tpu.memref_slice %arg9[%dma_start3A_151] : memref<92160xf32, #tpu.memory_space<vmem>> -> memref<5120xf32, #tpu.memory_space<vmem>>
        %dma_start3A_153 = tpu.memref_slice %arg8[%add3A_150] : memref<23040000xf32, #tpu.memory_space<hbm>> -> memref<5120xf32, #tpu.memory_space<hbm>>
        %dma_start3A_154 = tpu.memref_slice %arg8[%add3A_150] : memref<23040000xf32, #tpu.memory_space<hbm>> -> memref<5120xf32, #tpu.memory_space<hbm>>
        %dma_start3A_155 = arith.constant 25600 : i32
        %dma_start3A_156 = tpu.memref_slice %arg9[%dma_start3A_155] : memref<92160xf32, #tpu.memory_space<vmem>> -> memref<5120xf32, #tpu.memory_space<vmem>>
        tpu.enqueue_dma source(%dma_start3A_156 : memref<5120xf32, #tpu.memory_space<vmem>>) target(%dma_start3A_154 : memref<5120xf32, #tpu.memory_space<hbm>>) target_semaphore(%arg18 : memref<!tpu.dma_semaphore, #tpu.memory_space<semaphore_mem>>)
        %mul3A_157 = arith.constant 128 : i32
        %mul3A_158 = arith.muli %mul3A_31, %mul3A_157 : i32
        %add3A_159 = arith.constant 7680000 : i32
        %add3A_160 = arith.addi %add3A_159, %mul3A_158 : i32
        %dma_start3A_161 = arith.constant 30720 : i32
        %dma_start3A_162 = tpu.memref_slice %arg9[%dma_start3A_161] : memref<92160xf32, #tpu.memory_space<vmem>> -> memref<5120xf32, #tpu.memory_space<vmem>>
        %dma_start3A_163 = tpu.memref_slice %arg8[%add3A_160] : memref<23040000xf32, #tpu.memory_space<hbm>> -> memref<5120xf32, #tpu.memory_space<hbm>>
        %dma_start3A_164 = tpu.memref_slice %arg8[%add3A_160] : memref<23040000xf32, #tpu.memory_space<hbm>> -> memref<5120xf32, #tpu.memory_space<hbm>>
        %dma_start3A_165 = arith.constant 30720 : i32
        %dma_start3A_166 = tpu.memref_slice %arg9[%dma_start3A_165] : memref<92160xf32, #tpu.memory_space<vmem>> -> memref<5120xf32, #tpu.memory_space<vmem>>
        tpu.enqueue_dma source(%dma_start3A_166 : memref<5120xf32, #tpu.memory_space<vmem>>) target(%dma_start3A_164 : memref<5120xf32, #tpu.memory_space<hbm>>) target_semaphore(%arg18 : memref<!tpu.dma_semaphore, #tpu.memory_space<semaphore_mem>>)
        %mul3A_167 = arith.constant 128 : i32
        %mul3A_168 = arith.muli %mul3A_31, %mul3A_167 : i32
        %add3A_169 = arith.constant 8960000 : i32
        %add3A_170 = arith.addi %add3A_169, %mul3A_168 : i32
        %dma_start3A_171 = arith.constant 35840 : i32
        %dma_start3A_172 = tpu.memref_slice %arg9[%dma_start3A_171] : memref<92160xf32, #tpu.memory_space<vmem>> -> memref<5120xf32, #tpu.memory_space<vmem>>
        %dma_start3A_173 = tpu.memref_slice %arg8[%add3A_170] : memref<23040000xf32, #tpu.memory_space<hbm>> -> memref<5120xf32, #tpu.memory_space<hbm>>
        %dma_start3A_174 = tpu.memref_slice %arg8[%add3A_170] : memref<23040000xf32, #tpu.memory_space<hbm>> -> memref<5120xf32, #tpu.memory_space<hbm>>
        %dma_start3A_175 = arith.constant 35840 : i32
        %dma_start3A_176 = tpu.memref_slice %arg9[%dma_start3A_175] : memref<92160xf32, #tpu.memory_space<vmem>> -> memref<5120xf32, #tpu.memory_space<vmem>>
        tpu.enqueue_dma source(%dma_start3A_176 : memref<5120xf32, #tpu.memory_space<vmem>>) target(%dma_start3A_174 : memref<5120xf32, #tpu.memory_space<hbm>>) target_semaphore(%arg18 : memref<!tpu.dma_semaphore, #tpu.memory_space<semaphore_mem>>)
        %mul3A_177 = arith.constant 128 : i32
        %mul3A_178 = arith.muli %mul3A_31, %mul3A_177 : i32
        %add3A_179 = arith.constant 10240000 : i32
        %add3A_180 = arith.addi %add3A_179, %mul3A_178 : i32
        %dma_start3A_181 = arith.constant 40960 : i32
        %dma_start3A_182 = tpu.memref_slice %arg9[%dma_start3A_181] : memref<92160xf32, #tpu.memory_space<vmem>> -> memref<5120xf32, #tpu.memory_space<vmem>>
        %dma_start3A_183 = tpu.memref_slice %arg8[%add3A_180] : memref<23040000xf32, #tpu.memory_space<hbm>> -> memref<5120xf32, #tpu.memory_space<hbm>>
        %dma_start3A_184 = tpu.memref_slice %arg8[%add3A_180] : memref<23040000xf32, #tpu.memory_space<hbm>> -> memref<5120xf32, #tpu.memory_space<hbm>>
        %dma_start3A_185 = arith.constant 40960 : i32
        %dma_start3A_186 = tpu.memref_slice %arg9[%dma_start3A_185] : memref<92160xf32, #tpu.memory_space<vmem>> -> memref<5120xf32, #tpu.memory_space<vmem>>
        tpu.enqueue_dma source(%dma_start3A_186 : memref<5120xf32, #tpu.memory_space<vmem>>) target(%dma_start3A_184 : memref<5120xf32, #tpu.memory_space<hbm>>) target_semaphore(%arg18 : memref<!tpu.dma_semaphore, #tpu.memory_space<semaphore_mem>>)
        %mul3A_187 = arith.constant 128 : i32
        %mul3A_188 = arith.muli %mul3A_31, %mul3A_187 : i32
        %add3A_189 = arith.constant 11520000 : i32
        %add3A_190 = arith.addi %add3A_189, %mul3A_188 : i32
        %dma_start3A_191 = arith.constant 46080 : i32
        %dma_start3A_192 = tpu.memref_slice %arg9[%dma_start3A_191] : memref<92160xf32, #tpu.memory_space<vmem>> -> memref<5120xf32, #tpu.memory_space<vmem>>
        %dma_start3A_193 = tpu.memref_slice %arg8[%add3A_190] : memref<23040000xf32, #tpu.memory_space<hbm>> -> memref<5120xf32, #tpu.memory_space<hbm>>
        %dma_start3A_194 = tpu.memref_slice %arg8[%add3A_190] : memref<23040000xf32, #tpu.memory_space<hbm>> -> memref<5120xf32, #tpu.memory_space<hbm>>
        %dma_start3A_195 = arith.constant 46080 : i32
        %dma_start3A_196 = tpu.memref_slice %arg9[%dma_start3A_195] : memref<92160xf32, #tpu.memory_space<vmem>> -> memref<5120xf32, #tpu.memory_space<vmem>>
        tpu.enqueue_dma source(%dma_start3A_196 : memref<5120xf32, #tpu.memory_space<vmem>>) target(%dma_start3A_194 : memref<5120xf32, #tpu.memory_space<hbm>>) target_semaphore(%arg18 : memref<!tpu.dma_semaphore, #tpu.memory_space<semaphore_mem>>)
        %mul3A_197 = arith.constant 128 : i32
        %mul3A_198 = arith.muli %mul3A_31, %mul3A_197 : i32
        %add3A_199 = arith.constant 12800000 : i32
        %add3A_200 = arith.addi %add3A_199, %mul3A_198 : i32
        %dma_start3A_201 = arith.constant 51200 : i32
        %dma_start3A_202 = tpu.memref_slice %arg9[%dma_start3A_201] : memref<92160xf32, #tpu.memory_space<vmem>> -> memref<5120xf32, #tpu.memory_space<vmem>>
        %dma_start3A_203 = tpu.memref_slice %arg8[%add3A_200] : memref<23040000xf32, #tpu.memory_space<hbm>> -> memref<5120xf32, #tpu.memory_space<hbm>>
        %dma_start3A_204 = tpu.memref_slice %arg8[%add3A_200] : memref<23040000xf32, #tpu.memory_space<hbm>> -> memref<5120xf32, #tpu.memory_space<hbm>>
        %dma_start3A_205 = arith.constant 51200 : i32
        %dma_start3A_206 = tpu.memref_slice %arg9[%dma_start3A_205] : memref<92160xf32, #tpu.memory_space<vmem>> -> memref<5120xf32, #tpu.memory_space<vmem>>
        tpu.enqueue_dma source(%dma_start3A_206 : memref<5120xf32, #tpu.memory_space<vmem>>) target(%dma_start3A_204 : memref<5120xf32, #tpu.memory_space<hbm>>) target_semaphore(%arg18 : memref<!tpu.dma_semaphore, #tpu.memory_space<semaphore_mem>>)
        %mul3A_207 = arith.constant 128 : i32
        %mul3A_208 = arith.muli %mul3A_31, %mul3A_207 : i32
        %add3A_209 = arith.constant 14080000 : i32
        %add3A_210 = arith.addi %add3A_209, %mul3A_208 : i32
        %dma_start3A_211 = arith.constant 56320 : i32
        %dma_start3A_212 = tpu.memref_slice %arg9[%dma_start3A_211] : memref<92160xf32, #tpu.memory_space<vmem>> -> memref<5120xf32, #tpu.memory_space<vmem>>
        %dma_start3A_213 = tpu.memref_slice %arg8[%add3A_210] : memref<23040000xf32, #tpu.memory_space<hbm>> -> memref<5120xf32, #tpu.memory_space<hbm>>
        %dma_start3A_214 = tpu.memref_slice %arg8[%add3A_210] : memref<23040000xf32, #tpu.memory_space<hbm>> -> memref<5120xf32, #tpu.memory_space<hbm>>
        %dma_start3A_215 = arith.constant 56320 : i32
        %dma_start3A_216 = tpu.memref_slice %arg9[%dma_start3A_215] : memref<92160xf32, #tpu.memory_space<vmem>> -> memref<5120xf32, #tpu.memory_space<vmem>>
        tpu.enqueue_dma source(%dma_start3A_216 : memref<5120xf32, #tpu.memory_space<vmem>>) target(%dma_start3A_214 : memref<5120xf32, #tpu.memory_space<hbm>>) target_semaphore(%arg18 : memref<!tpu.dma_semaphore, #tpu.memory_space<semaphore_mem>>)
        %mul3A_217 = arith.constant 128 : i32
        %mul3A_218 = arith.muli %mul3A_31, %mul3A_217 : i32
        %add3A_219 = arith.constant 15360000 : i32
        %add3A_220 = arith.addi %add3A_219, %mul3A_218 : i32
        %dma_start3A_221 = arith.constant 61440 : i32
        %dma_start3A_222 = tpu.memref_slice %arg9[%dma_start3A_221] : memref<92160xf32, #tpu.memory_space<vmem>> -> memref<5120xf32, #tpu.memory_space<vmem>>
        %dma_start3A_223 = tpu.memref_slice %arg8[%add3A_220] : memref<23040000xf32, #tpu.memory_space<hbm>> -> memref<5120xf32, #tpu.memory_space<hbm>>
        %dma_start3A_224 = tpu.memref_slice %arg8[%add3A_220] : memref<23040000xf32, #tpu.memory_space<hbm>> -> memref<5120xf32, #tpu.memory_space<hbm>>
        %dma_start3A_225 = arith.constant 61440 : i32
        %dma_start3A_226 = tpu.memref_slice %arg9[%dma_start3A_225] : memref<92160xf32, #tpu.memory_space<vmem>> -> memref<5120xf32, #tpu.memory_space<vmem>>
        tpu.enqueue_dma source(%dma_start3A_226 : memref<5120xf32, #tpu.memory_space<vmem>>) target(%dma_start3A_224 : memref<5120xf32, #tpu.memory_space<hbm>>) target_semaphore(%arg18 : memref<!tpu.dma_semaphore, #tpu.memory_space<semaphore_mem>>)
        %mul3A_227 = arith.constant 128 : i32
        %mul3A_228 = arith.muli %mul3A_31, %mul3A_227 : i32
        %add3A_229 = arith.constant 16640000 : i32
        %add3A_230 = arith.addi %add3A_229, %mul3A_228 : i32
        %dma_start3A_231 = arith.constant 66560 : i32
        %dma_start3A_232 = tpu.memref_slice %arg9[%dma_start3A_231] : memref<92160xf32, #tpu.memory_space<vmem>> -> memref<5120xf32, #tpu.memory_space<vmem>>
        %dma_start3A_233 = tpu.memref_slice %arg8[%add3A_230] : memref<23040000xf32, #tpu.memory_space<hbm>> -> memref<5120xf32, #tpu.memory_space<hbm>>
        %dma_start3A_234 = tpu.memref_slice %arg8[%add3A_230] : memref<23040000xf32, #tpu.memory_space<hbm>> -> memref<5120xf32, #tpu.memory_space<hbm>>
        %dma_start3A_235 = arith.constant 66560 : i32
        %dma_start3A_236 = tpu.memref_slice %arg9[%dma_start3A_235] : memref<92160xf32, #tpu.memory_space<vmem>> -> memref<5120xf32, #tpu.memory_space<vmem>>
        tpu.enqueue_dma source(%dma_start3A_236 : memref<5120xf32, #tpu.memory_space<vmem>>) target(%dma_start3A_234 : memref<5120xf32, #tpu.memory_space<hbm>>) target_semaphore(%arg18 : memref<!tpu.dma_semaphore, #tpu.memory_space<semaphore_mem>>)
        %mul3A_237 = arith.constant 128 : i32
        %mul3A_238 = arith.muli %mul3A_31, %mul3A_237 : i32
        %add3A_239 = arith.constant 17920000 : i32
        %add3A_240 = arith.addi %add3A_239, %mul3A_238 : i32
        %dma_start3A_241 = arith.constant 71680 : i32
        %dma_start3A_242 = tpu.memref_slice %arg9[%dma_start3A_241] : memref<92160xf32, #tpu.memory_space<vmem>> -> memref<5120xf32, #tpu.memory_space<vmem>>
        %dma_start3A_243 = tpu.memref_slice %arg8[%add3A_240] : memref<23040000xf32, #tpu.memory_space<hbm>> -> memref<5120xf32, #tpu.memory_space<hbm>>
        %dma_start3A_244 = tpu.memref_slice %arg8[%add3A_240] : memref<23040000xf32, #tpu.memory_space<hbm>> -> memref<5120xf32, #tpu.memory_space<hbm>>
        %dma_start3A_245 = arith.constant 71680 : i32
        %dma_start3A_246 = tpu.memref_slice %arg9[%dma_start3A_245] : memref<92160xf32, #tpu.memory_space<vmem>> -> memref<5120xf32, #tpu.memory_space<vmem>>
        tpu.enqueue_dma source(%dma_start3A_246 : memref<5120xf32, #tpu.memory_space<vmem>>) target(%dma_start3A_244 : memref<5120xf32, #tpu.memory_space<hbm>>) target_semaphore(%arg18 : memref<!tpu.dma_semaphore, #tpu.memory_space<semaphore_mem>>)
        %mul3A_247 = arith.constant 128 : i32
        %mul3A_248 = arith.muli %mul3A_31, %mul3A_247 : i32
        %add3A_249 = arith.constant 19200000 : i32
        %add3A_250 = arith.addi %add3A_249, %mul3A_248 : i32
        %dma_start3A_251 = arith.constant 76800 : i32
        %dma_start3A_252 = tpu.memref_slice %arg9[%dma_start3A_251] : memref<92160xf32, #tpu.memory_space<vmem>> -> memref<5120xf32, #tpu.memory_space<vmem>>
        %dma_start3A_253 = tpu.memref_slice %arg8[%add3A_250] : memref<23040000xf32, #tpu.memory_space<hbm>> -> memref<5120xf32, #tpu.memory_space<hbm>>
        %dma_start3A_254 = tpu.memref_slice %arg8[%add3A_250] : memref<23040000xf32, #tpu.memory_space<hbm>> -> memref<5120xf32, #tpu.memory_space<hbm>>
        %dma_start3A_255 = arith.constant 76800 : i32
        %dma_start3A_256 = tpu.memref_slice %arg9[%dma_start3A_255] : memref<92160xf32, #tpu.memory_space<vmem>> -> memref<5120xf32, #tpu.memory_space<vmem>>
        tpu.enqueue_dma source(%dma_start3A_256 : memref<5120xf32, #tpu.memory_space<vmem>>) target(%dma_start3A_254 : memref<5120xf32, #tpu.memory_space<hbm>>) target_semaphore(%arg18 : memref<!tpu.dma_semaphore, #tpu.memory_space<semaphore_mem>>)
        %mul3A_257 = arith.constant 128 : i32
        %mul3A_258 = arith.muli %mul3A_31, %mul3A_257 : i32
        %add3A_259 = arith.constant 20480000 : i32
        %add3A_260 = arith.addi %add3A_259, %mul3A_258 : i32
        %dma_start3A_261 = arith.constant 81920 : i32
        %dma_start3A_262 = tpu.memref_slice %arg9[%dma_start3A_261] : memref<92160xf32, #tpu.memory_space<vmem>> -> memref<5120xf32, #tpu.memory_space<vmem>>
        %dma_start3A_263 = tpu.memref_slice %arg8[%add3A_260] : memref<23040000xf32, #tpu.memory_space<hbm>> -> memref<5120xf32, #tpu.memory_space<hbm>>
        %dma_start3A_264 = tpu.memref_slice %arg8[%add3A_260] : memref<23040000xf32, #tpu.memory_space<hbm>> -> memref<5120xf32, #tpu.memory_space<hbm>>
        %dma_start3A_265 = arith.constant 81920 : i32
        %dma_start3A_266 = tpu.memref_slice %arg9[%dma_start3A_265] : memref<92160xf32, #tpu.memory_space<vmem>> -> memref<5120xf32, #tpu.memory_space<vmem>>
        tpu.enqueue_dma source(%dma_start3A_266 : memref<5120xf32, #tpu.memory_space<vmem>>) target(%dma_start3A_264 : memref<5120xf32, #tpu.memory_space<hbm>>) target_semaphore(%arg18 : memref<!tpu.dma_semaphore, #tpu.memory_space<semaphore_mem>>)
        %mul3A_267 = arith.constant 128 : i32
        %mul3A_268 = arith.muli %mul3A_31, %mul3A_267 : i32
        %add3A_269 = arith.constant 21760000 : i32
        %add3A_270 = arith.addi %add3A_269, %mul3A_268 : i32
        %dma_start3A_271 = arith.constant 87040 : i32
        %dma_start3A_272 = tpu.memref_slice %arg9[%dma_start3A_271] : memref<92160xf32, #tpu.memory_space<vmem>> -> memref<5120xf32, #tpu.memory_space<vmem>>
        %dma_start3A_273 = tpu.memref_slice %arg8[%add3A_270] : memref<23040000xf32, #tpu.memory_space<hbm>> -> memref<5120xf32, #tpu.memory_space<hbm>>
        %dma_start3A_274 = tpu.memref_slice %arg8[%add3A_270] : memref<23040000xf32, #tpu.memory_space<hbm>> -> memref<5120xf32, #tpu.memory_space<hbm>>
        %dma_start3A_275 = arith.constant 87040 : i32
        %dma_start3A_276 = tpu.memref_slice %arg9[%dma_start3A_275] : memref<92160xf32, #tpu.memory_space<vmem>> -> memref<5120xf32, #tpu.memory_space<vmem>>
        tpu.enqueue_dma source(%dma_start3A_276 : memref<5120xf32, #tpu.memory_space<vmem>>) target(%dma_start3A_274 : memref<5120xf32, #tpu.memory_space<hbm>>) target_semaphore(%arg18 : memref<!tpu.dma_semaphore, #tpu.memory_space<semaphore_mem>>)
        %dma_wait3A = arith.constant 0 : i32
        %dma_wait3A_277 = tpu.memref_slice %arg9[%dma_wait3A] : memref<92160xf32, #tpu.memory_space<vmem>> -> memref<5120xf32, #tpu.memory_space<vmem>>
        %dma_wait3A_278 = tpu.memref_slice %arg8[%add3A_101] : memref<23040000xf32, #tpu.memory_space<hbm>> -> memref<5120xf32, #tpu.memory_space<hbm>>
        %dma_wait3A_279 = tpu.memref_slice %arg8[%add3A_101] : memref<23040000xf32, #tpu.memory_space<hbm>> -> memref<5120xf32, #tpu.memory_space<hbm>>
        %dma_wait3A_280 = arith.constant 0 : i32
        %dma_wait3A_281 = tpu.memref_slice %arg9[%dma_wait3A_280] : memref<92160xf32, #tpu.memory_space<vmem>> -> memref<5120xf32, #tpu.memory_space<vmem>>
        tpu.wait_dma2 semaphore(%arg18 : memref<!tpu.dma_semaphore, #tpu.memory_space<semaphore_mem>>) src(%dma_wait3A_281 : memref<5120xf32, #tpu.memory_space<vmem>>) dst(%dma_wait3A_279 : memref<5120xf32, #tpu.memory_space<hbm>>)
        %dma_wait3A_282 = arith.constant 5120 : i32
        %dma_wait3A_283 = tpu.memref_slice %arg9[%dma_wait3A_282] : memref<92160xf32, #tpu.memory_space<vmem>> -> memref<5120xf32, #tpu.memory_space<vmem>>
        %dma_wait3A_284 = tpu.memref_slice %arg8[%add3A_110] : memref<23040000xf32, #tpu.memory_space<hbm>> -> memref<5120xf32, #tpu.memory_space<hbm>>
        %dma_wait3A_285 = tpu.memref_slice %arg8[%add3A_110] : memref<23040000xf32, #tpu.memory_space<hbm>> -> memref<5120xf32, #tpu.memory_space<hbm>>
        %dma_wait3A_286 = arith.constant 5120 : i32
        %dma_wait3A_287 = tpu.memref_slice %arg9[%dma_wait3A_286] : memref<92160xf32, #tpu.memory_space<vmem>> -> memref<5120xf32, #tpu.memory_space<vmem>>
        tpu.wait_dma2 semaphore(%arg18 : memref<!tpu.dma_semaphore, #tpu.memory_space<semaphore_mem>>) src(%dma_wait3A_287 : memref<5120xf32, #tpu.memory_space<vmem>>) dst(%dma_wait3A_285 : memref<5120xf32, #tpu.memory_space<hbm>>)
        %dma_wait3A_288 = arith.constant 10240 : i32
        %dma_wait3A_289 = tpu.memref_slice %arg9[%dma_wait3A_288] : memref<92160xf32, #tpu.memory_space<vmem>> -> memref<5120xf32, #tpu.memory_space<vmem>>
        %dma_wait3A_290 = tpu.memref_slice %arg8[%add3A_120] : memref<23040000xf32, #tpu.memory_space<hbm>> -> memref<5120xf32, #tpu.memory_space<hbm>>
        %dma_wait3A_291 = tpu.memref_slice %arg8[%add3A_120] : memref<23040000xf32, #tpu.memory_space<hbm>> -> memref<5120xf32, #tpu.memory_space<hbm>>
        %dma_wait3A_292 = arith.constant 10240 : i32
        %dma_wait3A_293 = tpu.memref_slice %arg9[%dma_wait3A_292] : memref<92160xf32, #tpu.memory_space<vmem>> -> memref<5120xf32, #tpu.memory_space<vmem>>
        tpu.wait_dma2 semaphore(%arg18 : memref<!tpu.dma_semaphore, #tpu.memory_space<semaphore_mem>>) src(%dma_wait3A_293 : memref<5120xf32, #tpu.memory_space<vmem>>) dst(%dma_wait3A_291 : memref<5120xf32, #tpu.memory_space<hbm>>)
        %dma_wait3A_294 = arith.constant 15360 : i32
        %dma_wait3A_295 = tpu.memref_slice %arg9[%dma_wait3A_294] : memref<92160xf32, #tpu.memory_space<vmem>> -> memref<5120xf32, #tpu.memory_space<vmem>>
        %dma_wait3A_296 = tpu.memref_slice %arg8[%add3A_130] : memref<23040000xf32, #tpu.memory_space<hbm>> -> memref<5120xf32, #tpu.memory_space<hbm>>
        %dma_wait3A_297 = tpu.memref_slice %arg8[%add3A_130] : memref<23040000xf32, #tpu.memory_space<hbm>> -> memref<5120xf32, #tpu.memory_space<hbm>>
        %dma_wait3A_298 = arith.constant 15360 : i32
        %dma_wait3A_299 = tpu.memref_slice %arg9[%dma_wait3A_298] : memref<92160xf32, #tpu.memory_space<vmem>> -> memref<5120xf32, #tpu.memory_space<vmem>>
        tpu.wait_dma2 semaphore(%arg18 : memref<!tpu.dma_semaphore, #tpu.memory_space<semaphore_mem>>) src(%dma_wait3A_299 : memref<5120xf32, #tpu.memory_space<vmem>>) dst(%dma_wait3A_297 : memref<5120xf32, #tpu.memory_space<hbm>>)
        %dma_wait3A_300 = arith.constant 20480 : i32
        %dma_wait3A_301 = tpu.memref_slice %arg9[%dma_wait3A_300] : memref<92160xf32, #tpu.memory_space<vmem>> -> memref<5120xf32, #tpu.memory_space<vmem>>
        %dma_wait3A_302 = tpu.memref_slice %arg8[%add3A_140] : memref<23040000xf32, #tpu.memory_space<hbm>> -> memref<5120xf32, #tpu.memory_space<hbm>>
        %dma_wait3A_303 = tpu.memref_slice %arg8[%add3A_140] : memref<23040000xf32, #tpu.memory_space<hbm>> -> memref<5120xf32, #tpu.memory_space<hbm>>
        %dma_wait3A_304 = arith.constant 20480 : i32
        %dma_wait3A_305 = tpu.memref_slice %arg9[%dma_wait3A_304] : memref<92160xf32, #tpu.memory_space<vmem>> -> memref<5120xf32, #tpu.memory_space<vmem>>
        tpu.wait_dma2 semaphore(%arg18 : memref<!tpu.dma_semaphore, #tpu.memory_space<semaphore_mem>>) src(%dma_wait3A_305 : memref<5120xf32, #tpu.memory_space<vmem>>) dst(%dma_wait3A_303 : memref<5120xf32, #tpu.memory_space<hbm>>)
        %dma_wait3A_306 = arith.constant 25600 : i32
        %dma_wait3A_307 = tpu.memref_slice %arg9[%dma_wait3A_306] : memref<92160xf32, #tpu.memory_space<vmem>> -> memref<5120xf32, #tpu.memory_space<vmem>>
        %dma_wait3A_308 = tpu.memref_slice %arg8[%add3A_150] : memref<23040000xf32, #tpu.memory_space<hbm>> -> memref<5120xf32, #tpu.memory_space<hbm>>
        %dma_wait3A_309 = tpu.memref_slice %arg8[%add3A_150] : memref<23040000xf32, #tpu.memory_space<hbm>> -> memref<5120xf32, #tpu.memory_space<hbm>>
        %dma_wait3A_310 = arith.constant 25600 : i32
        %dma_wait3A_311 = tpu.memref_slice %arg9[%dma_wait3A_310] : memref<92160xf32, #tpu.memory_space<vmem>> -> memref<5120xf32, #tpu.memory_space<vmem>>
        tpu.wait_dma2 semaphore(%arg18 : memref<!tpu.dma_semaphore, #tpu.memory_space<semaphore_mem>>) src(%dma_wait3A_311 : memref<5120xf32, #tpu.memory_space<vmem>>) dst(%dma_wait3A_309 : memref<5120xf32, #tpu.memory_space<hbm>>)
        %dma_wait3A_312 = arith.constant 30720 : i32
        %dma_wait3A_313 = tpu.memref_slice %arg9[%dma_wait3A_312] : memref<92160xf32, #tpu.memory_space<vmem>> -> memref<5120xf32, #tpu.memory_space<vmem>>
        %dma_wait3A_314 = tpu.memref_slice %arg8[%add3A_160] : memref<23040000xf32, #tpu.memory_space<hbm>> -> memref<5120xf32, #tpu.memory_space<hbm>>
        %dma_wait3A_315 = tpu.memref_slice %arg8[%add3A_160] : memref<23040000xf32, #tpu.memory_space<hbm>> -> memref<5120xf32, #tpu.memory_space<hbm>>
        %dma_wait3A_316 = arith.constant 30720 : i32
        %dma_wait3A_317 = tpu.memref_slice %arg9[%dma_wait3A_316] : memref<92160xf32, #tpu.memory_space<vmem>> -> memref<5120xf32, #tpu.memory_space<vmem>>
        tpu.wait_dma2 semaphore(%arg18 : memref<!tpu.dma_semaphore, #tpu.memory_space<semaphore_mem>>) src(%dma_wait3A_317 : memref<5120xf32, #tpu.memory_space<vmem>>) dst(%dma_wait3A_315 : memref<5120xf32, #tpu.memory_space<hbm>>)
        %dma_wait3A_318 = arith.constant 35840 : i32
        %dma_wait3A_319 = tpu.memref_slice %arg9[%dma_wait3A_318] : memref<92160xf32, #tpu.memory_space<vmem>> -> memref<5120xf32, #tpu.memory_space<vmem>>
        %dma_wait3A_320 = tpu.memref_slice %arg8[%add3A_170] : memref<23040000xf32, #tpu.memory_space<hbm>> -> memref<5120xf32, #tpu.memory_space<hbm>>
        %dma_wait3A_321 = tpu.memref_slice %arg8[%add3A_170] : memref<23040000xf32, #tpu.memory_space<hbm>> -> memref<5120xf32, #tpu.memory_space<hbm>>
        %dma_wait3A_322 = arith.constant 35840 : i32
        %dma_wait3A_323 = tpu.memref_slice %arg9[%dma_wait3A_322] : memref<92160xf32, #tpu.memory_space<vmem>> -> memref<5120xf32, #tpu.memory_space<vmem>>
        tpu.wait_dma2 semaphore(%arg18 : memref<!tpu.dma_semaphore, #tpu.memory_space<semaphore_mem>>) src(%dma_wait3A_323 : memref<5120xf32, #tpu.memory_space<vmem>>) dst(%dma_wait3A_321 : memref<5120xf32, #tpu.memory_space<hbm>>)
        %dma_wait3A_324 = arith.constant 40960 : i32
        %dma_wait3A_325 = tpu.memref_slice %arg9[%dma_wait3A_324] : memref<92160xf32, #tpu.memory_space<vmem>> -> memref<5120xf32, #tpu.memory_space<vmem>>
        %dma_wait3A_326 = tpu.memref_slice %arg8[%add3A_180] : memref<23040000xf32, #tpu.memory_space<hbm>> -> memref<5120xf32, #tpu.memory_space<hbm>>
        %dma_wait3A_327 = tpu.memref_slice %arg8[%add3A_180] : memref<23040000xf32, #tpu.memory_space<hbm>> -> memref<5120xf32, #tpu.memory_space<hbm>>
        %dma_wait3A_328 = arith.constant 40960 : i32
        %dma_wait3A_329 = tpu.memref_slice %arg9[%dma_wait3A_328] : memref<92160xf32, #tpu.memory_space<vmem>> -> memref<5120xf32, #tpu.memory_space<vmem>>
        tpu.wait_dma2 semaphore(%arg18 : memref<!tpu.dma_semaphore, #tpu.memory_space<semaphore_mem>>) src(%dma_wait3A_329 : memref<5120xf32, #tpu.memory_space<vmem>>) dst(%dma_wait3A_327 : memref<5120xf32, #tpu.memory_space<hbm>>)
        %dma_wait3A_330 = arith.constant 46080 : i32
        %dma_wait3A_331 = tpu.memref_slice %arg9[%dma_wait3A_330] : memref<92160xf32, #tpu.memory_space<vmem>> -> memref<5120xf32, #tpu.memory_space<vmem>>
        %dma_wait3A_332 = tpu.memref_slice %arg8[%add3A_190] : memref<23040000xf32, #tpu.memory_space<hbm>> -> memref<5120xf32, #tpu.memory_space<hbm>>
        %dma_wait3A_333 = tpu.memref_slice %arg8[%add3A_190] : memref<23040000xf32, #tpu.memory_space<hbm>> -> memref<5120xf32, #tpu.memory_space<hbm>>
        %dma_wait3A_334 = arith.constant 46080 : i32
        %dma_wait3A_335 = tpu.memref_slice %arg9[%dma_wait3A_334] : memref<92160xf32, #tpu.memory_space<vmem>> -> memref<5120xf32, #tpu.memory_space<vmem>>
        tpu.wait_dma2 semaphore(%arg18 : memref<!tpu.dma_semaphore, #tpu.memory_space<semaphore_mem>>) src(%dma_wait3A_335 : memref<5120xf32, #tpu.memory_space<vmem>>) dst(%dma_wait3A_333 : memref<5120xf32, #tpu.memory_space<hbm>>)
        %dma_wait3A_336 = arith.constant 51200 : i32
        %dma_wait3A_337 = tpu.memref_slice %arg9[%dma_wait3A_336] : memref<92160xf32, #tpu.memory_space<vmem>> -> memref<5120xf32, #tpu.memory_space<vmem>>
        %dma_wait3A_338 = tpu.memref_slice %arg8[%add3A_200] : memref<23040000xf32, #tpu.memory_space<hbm>> -> memref<5120xf32, #tpu.memory_space<hbm>>
        %dma_wait3A_339 = tpu.memref_slice %arg8[%add3A_200] : memref<23040000xf32, #tpu.memory_space<hbm>> -> memref<5120xf32, #tpu.memory_space<hbm>>
        %dma_wait3A_340 = arith.constant 51200 : i32
        %dma_wait3A_341 = tpu.memref_slice %arg9[%dma_wait3A_340] : memref<92160xf32, #tpu.memory_space<vmem>> -> memref<5120xf32, #tpu.memory_space<vmem>>
        tpu.wait_dma2 semaphore(%arg18 : memref<!tpu.dma_semaphore, #tpu.memory_space<semaphore_mem>>) src(%dma_wait3A_341 : memref<5120xf32, #tpu.memory_space<vmem>>) dst(%dma_wait3A_339 : memref<5120xf32, #tpu.memory_space<hbm>>)
        %dma_wait3A_342 = arith.constant 56320 : i32
        %dma_wait3A_343 = tpu.memref_slice %arg9[%dma_wait3A_342] : memref<92160xf32, #tpu.memory_space<vmem>> -> memref<5120xf32, #tpu.memory_space<vmem>>
        %dma_wait3A_344 = tpu.memref_slice %arg8[%add3A_210] : memref<23040000xf32, #tpu.memory_space<hbm>> -> memref<5120xf32, #tpu.memory_space<hbm>>
        %dma_wait3A_345 = tpu.memref_slice %arg8[%add3A_210] : memref<23040000xf32, #tpu.memory_space<hbm>> -> memref<5120xf32, #tpu.memory_space<hbm>>
        %dma_wait3A_346 = arith.constant 56320 : i32
        %dma_wait3A_347 = tpu.memref_slice %arg9[%dma_wait3A_346] : memref<92160xf32, #tpu.memory_space<vmem>> -> memref<5120xf32, #tpu.memory_space<vmem>>
        tpu.wait_dma2 semaphore(%arg18 : memref<!tpu.dma_semaphore, #tpu.memory_space<semaphore_mem>>) src(%dma_wait3A_347 : memref<5120xf32, #tpu.memory_space<vmem>>) dst(%dma_wait3A_345 : memref<5120xf32, #tpu.memory_space<hbm>>)
        %dma_wait3A_348 = arith.constant 61440 : i32
        %dma_wait3A_349 = tpu.memref_slice %arg9[%dma_wait3A_348] : memref<92160xf32, #tpu.memory_space<vmem>> -> memref<5120xf32, #tpu.memory_space<vmem>>
        %dma_wait3A_350 = tpu.memref_slice %arg8[%add3A_220] : memref<23040000xf32, #tpu.memory_space<hbm>> -> memref<5120xf32, #tpu.memory_space<hbm>>
        %dma_wait3A_351 = tpu.memref_slice %arg8[%add3A_220] : memref<23040000xf32, #tpu.memory_space<hbm>> -> memref<5120xf32, #tpu.memory_space<hbm>>
        %dma_wait3A_352 = arith.constant 61440 : i32
        %dma_wait3A_353 = tpu.memref_slice %arg9[%dma_wait3A_352] : memref<92160xf32, #tpu.memory_space<vmem>> -> memref<5120xf32, #tpu.memory_space<vmem>>
        tpu.wait_dma2 semaphore(%arg18 : memref<!tpu.dma_semaphore, #tpu.memory_space<semaphore_mem>>) src(%dma_wait3A_353 : memref<5120xf32, #tpu.memory_space<vmem>>) dst(%dma_wait3A_351 : memref<5120xf32, #tpu.memory_space<hbm>>)
        %dma_wait3A_354 = arith.constant 66560 : i32
        %dma_wait3A_355 = tpu.memref_slice %arg9[%dma_wait3A_354] : memref<92160xf32, #tpu.memory_space<vmem>> -> memref<5120xf32, #tpu.memory_space<vmem>>
        %dma_wait3A_356 = tpu.memref_slice %arg8[%add3A_230] : memref<23040000xf32, #tpu.memory_space<hbm>> -> memref<5120xf32, #tpu.memory_space<hbm>>
        %dma_wait3A_357 = tpu.memref_slice %arg8[%add3A_230] : memref<23040000xf32, #tpu.memory_space<hbm>> -> memref<5120xf32, #tpu.memory_space<hbm>>
        %dma_wait3A_358 = arith.constant 66560 : i32
        %dma_wait3A_359 = tpu.memref_slice %arg9[%dma_wait3A_358] : memref<92160xf32, #tpu.memory_space<vmem>> -> memref<5120xf32, #tpu.memory_space<vmem>>
        tpu.wait_dma2 semaphore(%arg18 : memref<!tpu.dma_semaphore, #tpu.memory_space<semaphore_mem>>) src(%dma_wait3A_359 : memref<5120xf32, #tpu.memory_space<vmem>>) dst(%dma_wait3A_357 : memref<5120xf32, #tpu.memory_space<hbm>>)
        %dma_wait3A_360 = arith.constant 71680 : i32
        %dma_wait3A_361 = tpu.memref_slice %arg9[%dma_wait3A_360] : memref<92160xf32, #tpu.memory_space<vmem>> -> memref<5120xf32, #tpu.memory_space<vmem>>
        %dma_wait3A_362 = tpu.memref_slice %arg8[%add3A_240] : memref<23040000xf32, #tpu.memory_space<hbm>> -> memref<5120xf32, #tpu.memory_space<hbm>>
        %dma_wait3A_363 = tpu.memref_slice %arg8[%add3A_240] : memref<23040000xf32, #tpu.memory_space<hbm>> -> memref<5120xf32, #tpu.memory_space<hbm>>
        %dma_wait3A_364 = arith.constant 71680 : i32
        %dma_wait3A_365 = tpu.memref_slice %arg9[%dma_wait3A_364] : memref<92160xf32, #tpu.memory_space<vmem>> -> memref<5120xf32, #tpu.memory_space<vmem>>
        tpu.wait_dma2 semaphore(%arg18 : memref<!tpu.dma_semaphore, #tpu.memory_space<semaphore_mem>>) src(%dma_wait3A_365 : memref<5120xf32, #tpu.memory_space<vmem>>) dst(%dma_wait3A_363 : memref<5120xf32, #tpu.memory_space<hbm>>)
        %dma_wait3A_366 = arith.constant 76800 : i32
        %dma_wait3A_367 = tpu.memref_slice %arg9[%dma_wait3A_366] : memref<92160xf32, #tpu.memory_space<vmem>> -> memref<5120xf32, #tpu.memory_space<vmem>>
        %dma_wait3A_368 = tpu.memref_slice %arg8[%add3A_250] : memref<23040000xf32, #tpu.memory_space<hbm>> -> memref<5120xf32, #tpu.memory_space<hbm>>
        %dma_wait3A_369 = tpu.memref_slice %arg8[%add3A_250] : memref<23040000xf32, #tpu.memory_space<hbm>> -> memref<5120xf32, #tpu.memory_space<hbm>>
        %dma_wait3A_370 = arith.constant 76800 : i32
        %dma_wait3A_371 = tpu.memref_slice %arg9[%dma_wait3A_370] : memref<92160xf32, #tpu.memory_space<vmem>> -> memref<5120xf32, #tpu.memory_space<vmem>>
        tpu.wait_dma2 semaphore(%arg18 : memref<!tpu.dma_semaphore, #tpu.memory_space<semaphore_mem>>) src(%dma_wait3A_371 : memref<5120xf32, #tpu.memory_space<vmem>>) dst(%dma_wait3A_369 : memref<5120xf32, #tpu.memory_space<hbm>>)
        %dma_wait3A_372 = arith.constant 81920 : i32
        %dma_wait3A_373 = tpu.memref_slice %arg9[%dma_wait3A_372] : memref<92160xf32, #tpu.memory_space<vmem>> -> memref<5120xf32, #tpu.memory_space<vmem>>
        %dma_wait3A_374 = tpu.memref_slice %arg8[%add3A_260] : memref<23040000xf32, #tpu.memory_space<hbm>> -> memref<5120xf32, #tpu.memory_space<hbm>>
        %dma_wait3A_375 = tpu.memref_slice %arg8[%add3A_260] : memref<23040000xf32, #tpu.memory_space<hbm>> -> memref<5120xf32, #tpu.memory_space<hbm>>
        %dma_wait3A_376 = arith.constant 81920 : i32
        %dma_wait3A_377 = tpu.memref_slice %arg9[%dma_wait3A_376] : memref<92160xf32, #tpu.memory_space<vmem>> -> memref<5120xf32, #tpu.memory_space<vmem>>
        tpu.wait_dma2 semaphore(%arg18 : memref<!tpu.dma_semaphore, #tpu.memory_space<semaphore_mem>>) src(%dma_wait3A_377 : memref<5120xf32, #tpu.memory_space<vmem>>) dst(%dma_wait3A_375 : memref<5120xf32, #tpu.memory_space<hbm>>)
        %dma_wait3A_378 = arith.constant 87040 : i32
        %dma_wait3A_379 = tpu.memref_slice %arg9[%dma_wait3A_378] : memref<92160xf32, #tpu.memory_space<vmem>> -> memref<5120xf32, #tpu.memory_space<vmem>>
        %dma_wait3A_380 = tpu.memref_slice %arg8[%add3A_270] : memref<23040000xf32, #tpu.memory_space<hbm>> -> memref<5120xf32, #tpu.memory_space<hbm>>
        %dma_wait3A_381 = tpu.memref_slice %arg8[%add3A_270] : memref<23040000xf32, #tpu.memory_space<hbm>> -> memref<5120xf32, #tpu.memory_space<hbm>>
        %dma_wait3A_382 = arith.constant 87040 : i32
        %dma_wait3A_383 = tpu.memref_slice %arg9[%dma_wait3A_382] : memref<92160xf32, #tpu.memory_space<vmem>> -> memref<5120xf32, #tpu.memory_space<vmem>>
        tpu.wait_dma2 semaphore(%arg18 : memref<!tpu.dma_semaphore, #tpu.memory_space<semaphore_mem>>) src(%dma_wait3A_383 : memref<5120xf32, #tpu.memory_space<vmem>>) dst(%dma_wait3A_381 : memref<5120xf32, #tpu.memory_space<hbm>>)
      } else {
      }
    }
    %scan3A_25 = arith.constant 8 : i32
    return
  }
}

module attributes {stable_mosaic.version = 14 : i64} {
  func.func @_matmul_body(%arg0: i32, %arg1: memref<18x1000x128xf32, #tpu.memory_space<vmem>>, %arg2: memref<18x128x128xf32, #tpu.memory_space<vmem>>, %arg3: memref<1x128xf32, #tpu.memory_space<vmem>>, %arg4: memref<1000x128xf32, #tpu.memory_space<vmem>>) attributes {dimension_semantics = [#tpu.dimension_semantics<arbitrary>], iteration_bounds = array<i64: 10>, scalar_prefetch = 0 : i64, scratch_operands = 0 : i64, tpu.core_type = #tpu.core_type<tc>, window_params = [{transform_indices = @transform_0, window_bounds = array<i64: 18, 1000, 128>}, {pipeline_mode = #tpu.pipeline_mode<synchronous>, transform_indices = @transform_1, window_bounds = array<i64: 18, 128, 128>}, {pipeline_mode = #tpu.pipeline_mode<synchronous>, transform_indices = @transform_2, window_bounds = array<i64: 1, 128>}, {transform_indices = @transform_3, window_bounds = array<i64: 1000, 128>}]} {
    %broadcast_in_dim3A = arith.constant 0.000000e+00 : f32
    %broadcast_in_dim3A_0 = vector.broadcast %broadcast_in_dim3A : f32 to vector<1000x128xf32>
    %get3A = arith.constant 0 : index
    %get3A_1 = arith.constant 0 : index
    %get3A_2 = vector.load %arg3[%get3A, %get3A_1] : memref<1x128xf32, #tpu.memory_space<vmem>>, vector<1x128xf32>
    %add3A = vector.broadcast %get3A_2 : vector<1x128xf32> to vector<1000x128xf32>
    %add3A_3 = arith.addf %broadcast_in_dim3A_0, %add3A : vector<1000x128xf32>
    %get3A_4 = arith.constant 0 : index
    %get3A_5 = arith.constant 0 : index
    %get3A_6 = arith.constant 0 : index
    %get3A_7 = vector.load %arg1[%get3A_4, %get3A_5, %get3A_6] : memref<18x1000x128xf32, #tpu.memory_space<vmem>>, vector<1x1000x128xf32>
    %get3A_8 = vector.shape_cast %get3A_7 : vector<1x1000x128xf32> to vector<1000x128xf32>
    %get3A_9 = arith.constant 0 : index
    %get3A_10 = arith.constant 0 : index
    %get3A_11 = arith.constant 0 : index
    %get3A_12 = vector.load %arg2[%get3A_9, %get3A_10, %get3A_11] : memref<18x128x128xf32, #tpu.memory_space<vmem>>, vector<1x128x128xf32>
    %get3A_13 = vector.shape_cast %get3A_12 : vector<1x128x128xf32> to vector<128x128xf32>
    %dot_general3A = arith.constant dense<0.000000e+00> : vector<1000x128xf32>
    %dot_general3A_14 = tpu.matmul %get3A_8, %get3A_13, %dot_general3A {dimension_numbers = #tpu.dot_dimension_numbers<[1], [0], [0], [1], [0, 0, 1, 1], [], []>, transpose_lhs_hint = false} : vector<1000x128xf32>, vector<128x128xf32>, vector<1000x128xf32> -> vector<1000x128xf32>
    %add3A_15 = arith.addf %add3A_3, %dot_general3A_14 : vector<1000x128xf32>
    %get3A_16 = arith.constant 1 : index
    %get3A_17 = arith.constant 0 : index
    %get3A_18 = arith.constant 0 : index
    %get3A_19 = vector.load %arg1[%get3A_16, %get3A_17, %get3A_18] : memref<18x1000x128xf32, #tpu.memory_space<vmem>>, vector<1x1000x128xf32>
    %get3A_20 = vector.shape_cast %get3A_19 : vector<1x1000x128xf32> to vector<1000x128xf32>
    %get3A_21 = arith.constant 1 : index
    %get3A_22 = arith.constant 0 : index
    %get3A_23 = arith.constant 0 : index
    %get3A_24 = vector.load %arg2[%get3A_21, %get3A_22, %get3A_23] : memref<18x128x128xf32, #tpu.memory_space<vmem>>, vector<1x128x128xf32>
    %get3A_25 = vector.shape_cast %get3A_24 : vector<1x128x128xf32> to vector<128x128xf32>
    %dot_general3A_26 = arith.constant dense<0.000000e+00> : vector<1000x128xf32>
    %dot_general3A_27 = tpu.matmul %get3A_20, %get3A_25, %dot_general3A_26 {dimension_numbers = #tpu.dot_dimension_numbers<[1], [0], [0], [1], [0, 0, 1, 1], [], []>, transpose_lhs_hint = false} : vector<1000x128xf32>, vector<128x128xf32>, vector<1000x128xf32> -> vector<1000x128xf32>
    %add3A_28 = arith.addf %add3A_15, %dot_general3A_27 : vector<1000x128xf32>
    %get3A_29 = arith.constant 2 : index
    %get3A_30 = arith.constant 0 : index
    %get3A_31 = arith.constant 0 : index
    %get3A_32 = vector.load %arg1[%get3A_29, %get3A_30, %get3A_31] : memref<18x1000x128xf32, #tpu.memory_space<vmem>>, vector<1x1000x128xf32>
    %get3A_33 = vector.shape_cast %get3A_32 : vector<1x1000x128xf32> to vector<1000x128xf32>
    %get3A_34 = arith.constant 2 : index
    %get3A_35 = arith.constant 0 : index
    %get3A_36 = arith.constant 0 : index
    %get3A_37 = vector.load %arg2[%get3A_34, %get3A_35, %get3A_36] : memref<18x128x128xf32, #tpu.memory_space<vmem>>, vector<1x128x128xf32>
    %get3A_38 = vector.shape_cast %get3A_37 : vector<1x128x128xf32> to vector<128x128xf32>
    %dot_general3A_39 = arith.constant dense<0.000000e+00> : vector<1000x128xf32>
    %dot_general3A_40 = tpu.matmul %get3A_33, %get3A_38, %dot_general3A_39 {dimension_numbers = #tpu.dot_dimension_numbers<[1], [0], [0], [1], [0, 0, 1, 1], [], []>, transpose_lhs_hint = false} : vector<1000x128xf32>, vector<128x128xf32>, vector<1000x128xf32> -> vector<1000x128xf32>
    %add3A_41 = arith.addf %add3A_28, %dot_general3A_40 : vector<1000x128xf32>
    %get3A_42 = arith.constant 3 : index
    %get3A_43 = arith.constant 0 : index
    %get3A_44 = arith.constant 0 : index
    %get3A_45 = vector.load %arg1[%get3A_42, %get3A_43, %get3A_44] : memref<18x1000x128xf32, #tpu.memory_space<vmem>>, vector<1x1000x128xf32>
    %get3A_46 = vector.shape_cast %get3A_45 : vector<1x1000x128xf32> to vector<1000x128xf32>
    %get3A_47 = arith.constant 3 : index
    %get3A_48 = arith.constant 0 : index
    %get3A_49 = arith.constant 0 : index
    %get3A_50 = vector.load %arg2[%get3A_47, %get3A_48, %get3A_49] : memref<18x128x128xf32, #tpu.memory_space<vmem>>, vector<1x128x128xf32>
    %get3A_51 = vector.shape_cast %get3A_50 : vector<1x128x128xf32> to vector<128x128xf32>
    %dot_general3A_52 = arith.constant dense<0.000000e+00> : vector<1000x128xf32>
    %dot_general3A_53 = tpu.matmul %get3A_46, %get3A_51, %dot_general3A_52 {dimension_numbers = #tpu.dot_dimension_numbers<[1], [0], [0], [1], [0, 0, 1, 1], [], []>, transpose_lhs_hint = false} : vector<1000x128xf32>, vector<128x128xf32>, vector<1000x128xf32> -> vector<1000x128xf32>
    %add3A_54 = arith.addf %add3A_41, %dot_general3A_53 : vector<1000x128xf32>
    %get3A_55 = arith.constant 4 : index
    %get3A_56 = arith.constant 0 : index
    %get3A_57 = arith.constant 0 : index
    %get3A_58 = vector.load %arg1[%get3A_55, %get3A_56, %get3A_57] : memref<18x1000x128xf32, #tpu.memory_space<vmem>>, vector<1x1000x128xf32>
    %get3A_59 = vector.shape_cast %get3A_58 : vector<1x1000x128xf32> to vector<1000x128xf32>
    %get3A_60 = arith.constant 4 : index
    %get3A_61 = arith.constant 0 : index
    %get3A_62 = arith.constant 0 : index
    %get3A_63 = vector.load %arg2[%get3A_60, %get3A_61, %get3A_62] : memref<18x128x128xf32, #tpu.memory_space<vmem>>, vector<1x128x128xf32>
    %get3A_64 = vector.shape_cast %get3A_63 : vector<1x128x128xf32> to vector<128x128xf32>
    %dot_general3A_65 = arith.constant dense<0.000000e+00> : vector<1000x128xf32>
    %dot_general3A_66 = tpu.matmul %get3A_59, %get3A_64, %dot_general3A_65 {dimension_numbers = #tpu.dot_dimension_numbers<[1], [0], [0], [1], [0, 0, 1, 1], [], []>, transpose_lhs_hint = false} : vector<1000x128xf32>, vector<128x128xf32>, vector<1000x128xf32> -> vector<1000x128xf32>
    %add3A_67 = arith.addf %add3A_54, %dot_general3A_66 : vector<1000x128xf32>
    %get3A_68 = arith.constant 5 : index
    %get3A_69 = arith.constant 0 : index
    %get3A_70 = arith.constant 0 : index
    %get3A_71 = vector.load %arg1[%get3A_68, %get3A_69, %get3A_70] : memref<18x1000x128xf32, #tpu.memory_space<vmem>>, vector<1x1000x128xf32>
    %get3A_72 = vector.shape_cast %get3A_71 : vector<1x1000x128xf32> to vector<1000x128xf32>
    %get3A_73 = arith.constant 5 : index
    %get3A_74 = arith.constant 0 : index
    %get3A_75 = arith.constant 0 : index
    %get3A_76 = vector.load %arg2[%get3A_73, %get3A_74, %get3A_75] : memref<18x128x128xf32, #tpu.memory_space<vmem>>, vector<1x128x128xf32>
    %get3A_77 = vector.shape_cast %get3A_76 : vector<1x128x128xf32> to vector<128x128xf32>
    %dot_general3A_78 = arith.constant dense<0.000000e+00> : vector<1000x128xf32>
    %dot_general3A_79 = tpu.matmul %get3A_72, %get3A_77, %dot_general3A_78 {dimension_numbers = #tpu.dot_dimension_numbers<[1], [0], [0], [1], [0, 0, 1, 1], [], []>, transpose_lhs_hint = false} : vector<1000x128xf32>, vector<128x128xf32>, vector<1000x128xf32> -> vector<1000x128xf32>
    %add3A_80 = arith.addf %add3A_67, %dot_general3A_79 : vector<1000x128xf32>
    %get3A_81 = arith.constant 6 : index
    %get3A_82 = arith.constant 0 : index
    %get3A_83 = arith.constant 0 : index
    %get3A_84 = vector.load %arg1[%get3A_81, %get3A_82, %get3A_83] : memref<18x1000x128xf32, #tpu.memory_space<vmem>>, vector<1x1000x128xf32>
    %get3A_85 = vector.shape_cast %get3A_84 : vector<1x1000x128xf32> to vector<1000x128xf32>
    %get3A_86 = arith.constant 6 : index
    %get3A_87 = arith.constant 0 : index
    %get3A_88 = arith.constant 0 : index
    %get3A_89 = vector.load %arg2[%get3A_86, %get3A_87, %get3A_88] : memref<18x128x128xf32, #tpu.memory_space<vmem>>, vector<1x128x128xf32>
    %get3A_90 = vector.shape_cast %get3A_89 : vector<1x128x128xf32> to vector<128x128xf32>
    %dot_general3A_91 = arith.constant dense<0.000000e+00> : vector<1000x128xf32>
    %dot_general3A_92 = tpu.matmul %get3A_85, %get3A_90, %dot_general3A_91 {dimension_numbers = #tpu.dot_dimension_numbers<[1], [0], [0], [1], [0, 0, 1, 1], [], []>, transpose_lhs_hint = false} : vector<1000x128xf32>, vector<128x128xf32>, vector<1000x128xf32> -> vector<1000x128xf32>
    %add3A_93 = arith.addf %add3A_80, %dot_general3A_92 : vector<1000x128xf32>
    %get3A_94 = arith.constant 7 : index
    %get3A_95 = arith.constant 0 : index
    %get3A_96 = arith.constant 0 : index
    %get3A_97 = vector.load %arg1[%get3A_94, %get3A_95, %get3A_96] : memref<18x1000x128xf32, #tpu.memory_space<vmem>>, vector<1x1000x128xf32>
    %get3A_98 = vector.shape_cast %get3A_97 : vector<1x1000x128xf32> to vector<1000x128xf32>
    %get3A_99 = arith.constant 7 : index
    %get3A_100 = arith.constant 0 : index
    %get3A_101 = arith.constant 0 : index
    %get3A_102 = vector.load %arg2[%get3A_99, %get3A_100, %get3A_101] : memref<18x128x128xf32, #tpu.memory_space<vmem>>, vector<1x128x128xf32>
    %get3A_103 = vector.shape_cast %get3A_102 : vector<1x128x128xf32> to vector<128x128xf32>
    %dot_general3A_104 = arith.constant dense<0.000000e+00> : vector<1000x128xf32>
    %dot_general3A_105 = tpu.matmul %get3A_98, %get3A_103, %dot_general3A_104 {dimension_numbers = #tpu.dot_dimension_numbers<[1], [0], [0], [1], [0, 0, 1, 1], [], []>, transpose_lhs_hint = false} : vector<1000x128xf32>, vector<128x128xf32>, vector<1000x128xf32> -> vector<1000x128xf32>
    %add3A_106 = arith.addf %add3A_93, %dot_general3A_105 : vector<1000x128xf32>
    %get3A_107 = arith.constant 8 : index
    %get3A_108 = arith.constant 0 : index
    %get3A_109 = arith.constant 0 : index
    %get3A_110 = vector.load %arg1[%get3A_107, %get3A_108, %get3A_109] : memref<18x1000x128xf32, #tpu.memory_space<vmem>>, vector<1x1000x128xf32>
    %get3A_111 = vector.shape_cast %get3A_110 : vector<1x1000x128xf32> to vector<1000x128xf32>
    %get3A_112 = arith.constant 8 : index
    %get3A_113 = arith.constant 0 : index
    %get3A_114 = arith.constant 0 : index
    %get3A_115 = vector.load %arg2[%get3A_112, %get3A_113, %get3A_114] : memref<18x128x128xf32, #tpu.memory_space<vmem>>, vector<1x128x128xf32>
    %get3A_116 = vector.shape_cast %get3A_115 : vector<1x128x128xf32> to vector<128x128xf32>
    %dot_general3A_117 = arith.constant dense<0.000000e+00> : vector<1000x128xf32>
    %dot_general3A_118 = tpu.matmul %get3A_111, %get3A_116, %dot_general3A_117 {dimension_numbers = #tpu.dot_dimension_numbers<[1], [0], [0], [1], [0, 0, 1, 1], [], []>, transpose_lhs_hint = false} : vector<1000x128xf32>, vector<128x128xf32>, vector<1000x128xf32> -> vector<1000x128xf32>
    %add3A_119 = arith.addf %add3A_106, %dot_general3A_118 : vector<1000x128xf32>
    %get3A_120 = arith.constant 9 : index
    %get3A_121 = arith.constant 0 : index
    %get3A_122 = arith.constant 0 : index
    %get3A_123 = vector.load %arg1[%get3A_120, %get3A_121, %get3A_122] : memref<18x1000x128xf32, #tpu.memory_space<vmem>>, vector<1x1000x128xf32>
    %get3A_124 = vector.shape_cast %get3A_123 : vector<1x1000x128xf32> to vector<1000x128xf32>
    %get3A_125 = arith.constant 9 : index
    %get3A_126 = arith.constant 0 : index
    %get3A_127 = arith.constant 0 : index
    %get3A_128 = vector.load %arg2[%get3A_125, %get3A_126, %get3A_127] : memref<18x128x128xf32, #tpu.memory_space<vmem>>, vector<1x128x128xf32>
    %get3A_129 = vector.shape_cast %get3A_128 : vector<1x128x128xf32> to vector<128x128xf32>
    %dot_general3A_130 = arith.constant dense<0.000000e+00> : vector<1000x128xf32>
    %dot_general3A_131 = tpu.matmul %get3A_124, %get3A_129, %dot_general3A_130 {dimension_numbers = #tpu.dot_dimension_numbers<[1], [0], [0], [1], [0, 0, 1, 1], [], []>, transpose_lhs_hint = false} : vector<1000x128xf32>, vector<128x128xf32>, vector<1000x128xf32> -> vector<1000x128xf32>
    %add3A_132 = arith.addf %add3A_119, %dot_general3A_131 : vector<1000x128xf32>
    %get3A_133 = arith.constant 10 : index
    %get3A_134 = arith.constant 0 : index
    %get3A_135 = arith.constant 0 : index
    %get3A_136 = vector.load %arg1[%get3A_133, %get3A_134, %get3A_135] : memref<18x1000x128xf32, #tpu.memory_space<vmem>>, vector<1x1000x128xf32>
    %get3A_137 = vector.shape_cast %get3A_136 : vector<1x1000x128xf32> to vector<1000x128xf32>
    %get3A_138 = arith.constant 10 : index
    %get3A_139 = arith.constant 0 : index
    %get3A_140 = arith.constant 0 : index
    %get3A_141 = vector.load %arg2[%get3A_138, %get3A_139, %get3A_140] : memref<18x128x128xf32, #tpu.memory_space<vmem>>, vector<1x128x128xf32>
    %get3A_142 = vector.shape_cast %get3A_141 : vector<1x128x128xf32> to vector<128x128xf32>
    %dot_general3A_143 = arith.constant dense<0.000000e+00> : vector<1000x128xf32>
    %dot_general3A_144 = tpu.matmul %get3A_137, %get3A_142, %dot_general3A_143 {dimension_numbers = #tpu.dot_dimension_numbers<[1], [0], [0], [1], [0, 0, 1, 1], [], []>, transpose_lhs_hint = false} : vector<1000x128xf32>, vector<128x128xf32>, vector<1000x128xf32> -> vector<1000x128xf32>
    %add3A_145 = arith.addf %add3A_132, %dot_general3A_144 : vector<1000x128xf32>
    %get3A_146 = arith.constant 11 : index
    %get3A_147 = arith.constant 0 : index
    %get3A_148 = arith.constant 0 : index
    %get3A_149 = vector.load %arg1[%get3A_146, %get3A_147, %get3A_148] : memref<18x1000x128xf32, #tpu.memory_space<vmem>>, vector<1x1000x128xf32>
    %get3A_150 = vector.shape_cast %get3A_149 : vector<1x1000x128xf32> to vector<1000x128xf32>
    %get3A_151 = arith.constant 11 : index
    %get3A_152 = arith.constant 0 : index
    %get3A_153 = arith.constant 0 : index
    %get3A_154 = vector.load %arg2[%get3A_151, %get3A_152, %get3A_153] : memref<18x128x128xf32, #tpu.memory_space<vmem>>, vector<1x128x128xf32>
    %get3A_155 = vector.shape_cast %get3A_154 : vector<1x128x128xf32> to vector<128x128xf32>
    %dot_general3A_156 = arith.constant dense<0.000000e+00> : vector<1000x128xf32>
    %dot_general3A_157 = tpu.matmul %get3A_150, %get3A_155, %dot_general3A_156 {dimension_numbers = #tpu.dot_dimension_numbers<[1], [0], [0], [1], [0, 0, 1, 1], [], []>, transpose_lhs_hint = false} : vector<1000x128xf32>, vector<128x128xf32>, vector<1000x128xf32> -> vector<1000x128xf32>
    %add3A_158 = arith.addf %add3A_145, %dot_general3A_157 : vector<1000x128xf32>
    %get3A_159 = arith.constant 12 : index
    %get3A_160 = arith.constant 0 : index
    %get3A_161 = arith.constant 0 : index
    %get3A_162 = vector.load %arg1[%get3A_159, %get3A_160, %get3A_161] : memref<18x1000x128xf32, #tpu.memory_space<vmem>>, vector<1x1000x128xf32>
    %get3A_163 = vector.shape_cast %get3A_162 : vector<1x1000x128xf32> to vector<1000x128xf32>
    %get3A_164 = arith.constant 12 : index
    %get3A_165 = arith.constant 0 : index
    %get3A_166 = arith.constant 0 : index
    %get3A_167 = vector.load %arg2[%get3A_164, %get3A_165, %get3A_166] : memref<18x128x128xf32, #tpu.memory_space<vmem>>, vector<1x128x128xf32>
    %get3A_168 = vector.shape_cast %get3A_167 : vector<1x128x128xf32> to vector<128x128xf32>
    %dot_general3A_169 = arith.constant dense<0.000000e+00> : vector<1000x128xf32>
    %dot_general3A_170 = tpu.matmul %get3A_163, %get3A_168, %dot_general3A_169 {dimension_numbers = #tpu.dot_dimension_numbers<[1], [0], [0], [1], [0, 0, 1, 1], [], []>, transpose_lhs_hint = false} : vector<1000x128xf32>, vector<128x128xf32>, vector<1000x128xf32> -> vector<1000x128xf32>
    %add3A_171 = arith.addf %add3A_158, %dot_general3A_170 : vector<1000x128xf32>
    %get3A_172 = arith.constant 13 : index
    %get3A_173 = arith.constant 0 : index
    %get3A_174 = arith.constant 0 : index
    %get3A_175 = vector.load %arg1[%get3A_172, %get3A_173, %get3A_174] : memref<18x1000x128xf32, #tpu.memory_space<vmem>>, vector<1x1000x128xf32>
    %get3A_176 = vector.shape_cast %get3A_175 : vector<1x1000x128xf32> to vector<1000x128xf32>
    %get3A_177 = arith.constant 13 : index
    %get3A_178 = arith.constant 0 : index
    %get3A_179 = arith.constant 0 : index
    %get3A_180 = vector.load %arg2[%get3A_177, %get3A_178, %get3A_179] : memref<18x128x128xf32, #tpu.memory_space<vmem>>, vector<1x128x128xf32>
    %get3A_181 = vector.shape_cast %get3A_180 : vector<1x128x128xf32> to vector<128x128xf32>
    %dot_general3A_182 = arith.constant dense<0.000000e+00> : vector<1000x128xf32>
    %dot_general3A_183 = tpu.matmul %get3A_176, %get3A_181, %dot_general3A_182 {dimension_numbers = #tpu.dot_dimension_numbers<[1], [0], [0], [1], [0, 0, 1, 1], [], []>, transpose_lhs_hint = false} : vector<1000x128xf32>, vector<128x128xf32>, vector<1000x128xf32> -> vector<1000x128xf32>
    %add3A_184 = arith.addf %add3A_171, %dot_general3A_183 : vector<1000x128xf32>
    %get3A_185 = arith.constant 14 : index
    %get3A_186 = arith.constant 0 : index
    %get3A_187 = arith.constant 0 : index
    %get3A_188 = vector.load %arg1[%get3A_185, %get3A_186, %get3A_187] : memref<18x1000x128xf32, #tpu.memory_space<vmem>>, vector<1x1000x128xf32>
    %get3A_189 = vector.shape_cast %get3A_188 : vector<1x1000x128xf32> to vector<1000x128xf32>
    %get3A_190 = arith.constant 14 : index
    %get3A_191 = arith.constant 0 : index
    %get3A_192 = arith.constant 0 : index
    %get3A_193 = vector.load %arg2[%get3A_190, %get3A_191, %get3A_192] : memref<18x128x128xf32, #tpu.memory_space<vmem>>, vector<1x128x128xf32>
    %get3A_194 = vector.shape_cast %get3A_193 : vector<1x128x128xf32> to vector<128x128xf32>
    %dot_general3A_195 = arith.constant dense<0.000000e+00> : vector<1000x128xf32>
    %dot_general3A_196 = tpu.matmul %get3A_189, %get3A_194, %dot_general3A_195 {dimension_numbers = #tpu.dot_dimension_numbers<[1], [0], [0], [1], [0, 0, 1, 1], [], []>, transpose_lhs_hint = false} : vector<1000x128xf32>, vector<128x128xf32>, vector<1000x128xf32> -> vector<1000x128xf32>
    %add3A_197 = arith.addf %add3A_184, %dot_general3A_196 : vector<1000x128xf32>
    %get3A_198 = arith.constant 15 : index
    %get3A_199 = arith.constant 0 : index
    %get3A_200 = arith.constant 0 : index
    %get3A_201 = vector.load %arg1[%get3A_198, %get3A_199, %get3A_200] : memref<18x1000x128xf32, #tpu.memory_space<vmem>>, vector<1x1000x128xf32>
    %get3A_202 = vector.shape_cast %get3A_201 : vector<1x1000x128xf32> to vector<1000x128xf32>
    %get3A_203 = arith.constant 15 : index
    %get3A_204 = arith.constant 0 : index
    %get3A_205 = arith.constant 0 : index
    %get3A_206 = vector.load %arg2[%get3A_203, %get3A_204, %get3A_205] : memref<18x128x128xf32, #tpu.memory_space<vmem>>, vector<1x128x128xf32>
    %get3A_207 = vector.shape_cast %get3A_206 : vector<1x128x128xf32> to vector<128x128xf32>
    %dot_general3A_208 = arith.constant dense<0.000000e+00> : vector<1000x128xf32>
    %dot_general3A_209 = tpu.matmul %get3A_202, %get3A_207, %dot_general3A_208 {dimension_numbers = #tpu.dot_dimension_numbers<[1], [0], [0], [1], [0, 0, 1, 1], [], []>, transpose_lhs_hint = false} : vector<1000x128xf32>, vector<128x128xf32>, vector<1000x128xf32> -> vector<1000x128xf32>
    %add3A_210 = arith.addf %add3A_197, %dot_general3A_209 : vector<1000x128xf32>
    %get3A_211 = arith.constant 16 : index
    %get3A_212 = arith.constant 0 : index
    %get3A_213 = arith.constant 0 : index
    %get3A_214 = vector.load %arg1[%get3A_211, %get3A_212, %get3A_213] : memref<18x1000x128xf32, #tpu.memory_space<vmem>>, vector<1x1000x128xf32>
    %get3A_215 = vector.shape_cast %get3A_214 : vector<1x1000x128xf32> to vector<1000x128xf32>
    %get3A_216 = arith.constant 16 : index
    %get3A_217 = arith.constant 0 : index
    %get3A_218 = arith.constant 0 : index
    %get3A_219 = vector.load %arg2[%get3A_216, %get3A_217, %get3A_218] : memref<18x128x128xf32, #tpu.memory_space<vmem>>, vector<1x128x128xf32>
    %get3A_220 = vector.shape_cast %get3A_219 : vector<1x128x128xf32> to vector<128x128xf32>
    %dot_general3A_221 = arith.constant dense<0.000000e+00> : vector<1000x128xf32>
    %dot_general3A_222 = tpu.matmul %get3A_215, %get3A_220, %dot_general3A_221 {dimension_numbers = #tpu.dot_dimension_numbers<[1], [0], [0], [1], [0, 0, 1, 1], [], []>, transpose_lhs_hint = false} : vector<1000x128xf32>, vector<128x128xf32>, vector<1000x128xf32> -> vector<1000x128xf32>
    %add3A_223 = arith.addf %add3A_210, %dot_general3A_222 : vector<1000x128xf32>
    %get3A_224 = arith.constant 17 : index
    %get3A_225 = arith.constant 0 : index
    %get3A_226 = arith.constant 0 : index
    %get3A_227 = vector.load %arg1[%get3A_224, %get3A_225, %get3A_226] : memref<18x1000x128xf32, #tpu.memory_space<vmem>>, vector<1x1000x128xf32>
    %get3A_228 = vector.shape_cast %get3A_227 : vector<1x1000x128xf32> to vector<1000x128xf32>
    %get3A_229 = arith.constant 17 : index
    %get3A_230 = arith.constant 0 : index
    %get3A_231 = arith.constant 0 : index
    %get3A_232 = vector.load %arg2[%get3A_229, %get3A_230, %get3A_231] : memref<18x128x128xf32, #tpu.memory_space<vmem>>, vector<1x128x128xf32>
    %get3A_233 = vector.shape_cast %get3A_232 : vector<1x128x128xf32> to vector<128x128xf32>
    %dot_general3A_234 = arith.constant dense<0.000000e+00> : vector<1000x128xf32>
    %dot_general3A_235 = tpu.matmul %get3A_228, %get3A_233, %dot_general3A_234 {dimension_numbers = #tpu.dot_dimension_numbers<[1], [0], [0], [1], [0, 0, 1, 1], [], []>, transpose_lhs_hint = false} : vector<1000x128xf32>, vector<128x128xf32>, vector<1000x128xf32> -> vector<1000x128xf32>
    %add3A_236 = arith.addf %add3A_223, %dot_general3A_235 : vector<1000x128xf32>
    %swap3A = arith.constant 0 : index
    %swap3A_237 = arith.constant 0 : index
    %swap3A_238 = vector.load %arg4[%swap3A, %swap3A_237] : memref<1000x128xf32, #tpu.memory_space<vmem>>, vector<1000x128xf32>
    tpu.vector_store %arg4[%swap3A, %swap3A_237], %add3A_236 {strides = array<i32>} : memref<1000x128xf32, #tpu.memory_space<vmem>>, vector<1000x128xf32>,
    return
  }
  func.func @transform_0(%arg0: i32) -> (i32, i32, i32) {
    %c0_i32 = arith.constant 0 : i32
    %c0_i32_0 = arith.constant 0 : i32
    %c0_i32_1 = arith.constant 0 : i32
    return %c0_i32, %arg0, %c0_i32_0 : i32, i32, i32
  }
  func.func @transform_1(%arg0: i32) -> (i32, i32, i32) {
    %c0_i32 = arith.constant 0 : i32
    %c0_i32_0 = arith.constant 0 : i32
    %c0_i32_1 = arith.constant 0 : i32
    %c0_i32_2 = arith.constant 0 : i32
    return %c0_i32, %c0_i32_0, %c0_i32_1 : i32, i32, i32
  }
  func.func @transform_2(%arg0: i32) -> (i32, i32) {
    %c0_i32 = arith.constant 0 : i32
    %c0_i32_0 = arith.constant 0 : i32
    %c0_i32_1 = arith.constant 0 : i32
    return %c0_i32, %c0_i32_0 : i32, i32
  }
  func.func @transform_3(%arg0: i32) -> (i32, i32) {
    %c0_i32 = arith.constant 0 : i32
    %c0_i32_0 = arith.constant 0 : i32
    return %arg0, %c0_i32 : i32, i32
  }
}

</mosaic_0001>

<sc_bundles>
// kernel: kernel.5.cloned.1.call-start
scs
__scs_entry_jumppad:
0x0: {  	(pc) =	sbr.rel $0x88, $3  }
0x1: {  	(tag) =	ssettag $0x0;
	lr =	simm.s32 $0x1  }
0x2: {  	[smem:$0x3F9B] =	sst lr;
	_ =	strace $0xD0000000  }
0x3: {  	_ = 	snop  }
0x4: {  	_ = 	snop  }
0x5: {  	_ = 	snop  }
0x6: {  	_ = 	snop  }
0x7: {  	_ = 	snop  }
__scs_overlays_trampoline_lowered:
0x8: {  	[smem:$0x3FAA] =	sst s0  }
0x9: {  	[smem:$0x3FAB] =	sst s1  }
0xa: {  	[smem:$0x3FAC] =	sst s2  }
0xb: {  	[smem:$0x3FAD] =	sst s3  }
0xc: {  	[smem:$0x3FAE] =	sst s4  }
0xd: {  	[smem:$0x3FAF] =	sst s5  }
0xe: {  	[smem:$0x3FB0] =	sst s6  }
0xf: {  	[smem:$0x3FB1] =	sst s7  }
0x10: {  	[smem:$0x3FB2] =	sst s8  }
0x11: {  	[smem:$0x3FB3] =	sst s9;
	s0 =	simm.s32 @!p0 $0x0  }
0x12: {  	s1 =	sld [smem:$0x3F99];
	s0 =	simm.s32 @p0 $0x1  }
0x13: {  	[smem:$0x3FB4] =	sst s0;
	s0 =	simm.s32 @!p1 $0x0  }
0x14: {  	s2 =	sld [smem:$0x3F98];
	s0 =	simm.s32 @p1 $0x1  }
0x15: {  	[smem:$0x3FB5] =	sst s0;
	s0 =	simm.s32 @!p2 $0x0  }
0x16: {  	s3 =	sld [smem:$0x3FDB];
	s0 =	simm.s32 @p2 $0x1  }
0x17: {  	s4 =	simm.s32 $0x1BF5;
	[smem:$0x3FB7] =	sst s0  }
0x18: {  	s0 =	sld [smem:$0x3F9A];
	_ =	swait.ge [sflag:s4], $0x0  }
0x19: {  	s7 =	sld [smem:$0x3F9B]  }
0x1a: {  	s8 =	sadd.s32 $0xFFFFE003, lr  }
0x1b: {  	s9 =	sadd.s32 $0xFFFFFEF7, lr;
	s5 =	simm.s32 $0xFFFFFFFF;
	p2 =	slt.u32 s8, $0xFFFFF086  }
0x1c: {  	p1 =	slt.u32 s9, $0xF7A;
	s5 =	simm.s32 @!p2 $0x0  }
0x1d: {  	s5 =	simm.s32 @p1 $0x1;
	p0 =	seq.s32 s7, s2  }
0x1e: {  	s7 =	smul.u32 @!p0 $0xF7A, s2;
	p2 =	seq.s32 @!p0 s5, $0x0  }
0x1f: {  	s9 =	smul.u32 $0xF7A, s1;
	s8 =	simm.s32 @!p0 $0x1BF5;
	p2 =	por !p2, p0  }
0x20: {  	[sflag:s8] =	ssyncset.s32 @!p0 $0xFFFFF086;
	s6 =	sadd.s32 @!p0 s3, s7;
	s7 =	simm.s32 @!p0 $0x108  }
0x21: {  	s3 =	sadd.s32 s3, s9;
	s6 =	sadd.s32 @!p0 $0x88, s6;
	s7 =	simm.s32 @p2 $0x1082  }
0x22: {  	[simem:s7], [sflag:s8] =	dma.local @!p0 [hbm:s6], $0xF7A  }
0x23: {  	s9 =	sor.u32 $0xD0000000, s2;
	s6 =	simm.s32 $0x108;
	_ =	swait.ge @!p0 [sflag:s8], $0x0  }
0x24: {  	s3 =	sadd.s32 $0x88, s3;
	s6 =	simm.s32 @!p1 $0x1082;
	[sflag:s4] =	ssyncset.s32 $0xFFFFF086  }
0x25: {  	[simem:s6], [sflag:s4] =	dma.local [hbm:s3], $0xF7A  }
0x26: {  	[smem:$0x3F9B] =	sst s1;
	(tag) =	ssettag s2;
	_ =	strace s9  }
0x27: {  	s1 =	sld [smem:$0x3FAB]  }
0x28: {  	s2 =	sld [smem:$0x3FAC]  }
0x29: {  	s4 =	sld [smem:$0x3FAE]  }
0x2a: {  	p0 =	seq.s32 s5, $0x0;
	s5 =	sld [smem:$0x3FAF]  }
0x2b: {  	s6 =	sld [smem:$0x3FB0]  }
0x2c: {  	s7 =	sld [smem:$0x3FB1]  }
0x2d: {  	s3 =	simm.s32 $0x108;
	s8 =	sld [smem:$0x3FB2]  }
0x2e: {  	s3 =	simm.s32 @!p0 $0x1082;
	s9 =	sld [smem:$0x3FB3]  }
0x2f: {  	lr =	sadd.s32 s0, s3;
	s0 =	sld [smem:$0x3FAA]  }
0x30: {  	s3 =	sld [smem:$0x3FAD]  }
0x31: {  	[smem:$0x3FB6] =	sst s10  }
0x32: {  	s10 =	sld [smem:$0x3FB4];
	_ =	sdelay $0x3  }
0x33: {  	p0 =	seq.s32 s10, $0x1;
	s10 =	sld [smem:$0x3FB6];
	_ =	sdelay $0x3  }
0x34: {  	[smem:$0x3FB6] =	sst s10  }
0x35: {  	s10 =	sld [smem:$0x3FB5];
	_ =	sdelay $0x3  }
0x36: {  	p1 =	seq.s32 s10, $0x1;
	s10 =	sld [smem:$0x3FB6];
	_ =	sdelay $0x3  }
0x37: {  	[smem:$0x3FB6] =	sst s10  }
0x38: {  	s10 =	sld [smem:$0x3FB7]  }
0x39: {  	_ = 	snop;
	(pc) =	sbr.ind lr, $3  }
0x3a: {  	_ = 	snop  }
0x3b: {  	_ = 	snop  }
0x3c: {  	p2 =	seq.s32 s10, $0x1;
	s10 =	sld [smem:$0x3FB6]  }
0x3d: {  	_ =	shalt  }
0x3e: {  	_ =	shalt  }
0x3f: {  	_ =	shalt  }
0x40: {  	_ =	shalt  }
0x41: {  	_ =	shalt  }
0x42: {  	_ =	shalt  }
0x43: {  	_ =	shalt  }
0x44: {  	_ =	shalt  }
0x45: {  	_ =	shalt  }
0x46: {  	_ =	shalt  }
0x47: {  	_ =	shalt  }
0x48: {  	_ =	shalt  }
0x49: {  	_ =	shalt  }
0x4a: {  	_ =	shalt  }
0x4b: {  	_ =	shalt  }
0x4c: {  	_ =	shalt  }
0x4d: {  	_ =	shalt  }
0x4e: {  	_ =	shalt  }
0x4f: {  	_ =	shalt  }
0x50: {  	_ =	shalt  }
0x51: {  	_ =	shalt  }
0x52: {  	_ =	shalt  }
0x53: {  	_ =	shalt  }
0x54: {  	_ =	shalt  }
0x55: {  	_ =	shalt  }
0x56: {  	_ =	shalt  }
0x57: {  	_ =	shalt  }
0x58: {  	_ =	shalt  }
0x59: {  	_ =	shalt  }
0x5a: {  	_ =	shalt  }
0x5b: {  	_ =	shalt  }
0x5c: {  	_ =	shalt  }
0x5d: {  	_ =	shalt  }
0x5e: {  	_ =	shalt  }
0x5f: {  	_ =	shalt  }
0x60: {  	_ =	shalt  }
0x61: {  	_ =	shalt  }
0x62: {  	_ =	shalt  }
0x63: {  	_ =	shalt  }
0x64: {  	_ =	shalt  }
0x65: {  	_ =	shalt  }
0x66: {  	_ =	shalt  }
0x67: {  	_ =	shalt  }
0x68: {  	_ =	shalt  }
0x69: {  	_ =	shalt  }
0x6a: {  	_ =	shalt  }
0x6b: {  	_ =	shalt  }
0x6c: {  	_ =	shalt  }
0x6d: {  	_ =	shalt  }
0x6e: {  	_ =	shalt  }
0x6f: {  	_ =	shalt  }
0x70: {  	_ =	shalt  }
0x71: {  	_ =	shalt  }
0x72: {  	_ =	shalt  }
0x73: {  	_ =	shalt  }
0x74: {  	_ =	shalt  }
0x75: {  	_ =	shalt  }
0x76: {  	_ =	shalt  }
0x77: {  	_ =	shalt  }
0x78: {  	_ =	shalt  }
0x79: {  	_ =	shalt  }
0x7a: {  	_ =	shalt  }
0x7b: {  	_ =	shalt  }
0x7c: {  	_ =	shalt  }
0x7d: {  	_ =	shalt  }
0x7e: {  	_ =	shalt  }
0x7f: {  	_ =	shalt  }
0x80: {  	_ =	shalt  }
0x81: {  	_ =	shalt  }
0x82: {  	_ =	shalt  }
0x83: {  	_ =	shalt  }
0x84: {  	_ =	shalt  }
0x85: {  	_ =	shalt  }
0x86: {  	_ =	shalt  }
0x87: {  	_ =	shalt  }
.Lfunc_end0:
.L_simem_size_0:
called_computation_lowered:
.L_overlay_start_0:
0x88: {  	s2 =	sld [smem:$0x3FD9]  }
0x89: {  	s3 =	sld [smem:$0x3FFE];
	_ =	sdelay $0x1  }
0x8a: {  	s1 =	srdreg.scid  }
0x8b: {  	s0 =	sand.u32 $0x1, s1  }
0x8c: {  	s17 =	sshll.u32 s0, $0xA;
	s2 =	sadd.s32 s3, s2  }
0x8d: {  	s2 =	sadd.s32 s2, s17  }
0x8e: {  	[smem:$0x3FC2] =	sst s2  }
0x8f: {  	_ = 	snop  }
0x90: {  	s2 =	sld [smem:$0x3FC7]  }
0x91: {  	s18 =	sld [smem:$0x3FD0];
	(tm) =	ssettm $0x1  }
0x92: {  	s4 =	sld [smem:$0x3FFB];
	_ =	sdelay $0x3  }
0x93: {  	_ =	strace s4  }
0x94: {  	s4 =	sld [smem:$0x3FFC];
	_ =	sdelay $0x3  }
0x95: {  	_ =	strace s4  }
0x96: {  	s4 =	sld [smem:$0x3FFD];
	_ =	sdelay $0x3  }
0x97: {  	_ =	strace s4  }
0x98: {  	_ =	strace $0x8FFFFFFF  }
0x99: {  	s19 =	sld [smem:$0x3FDB];
	_ =	sdelay $0x1  }
0x9a: {  	s5 =	simm.s32 $_scs_section_size  }
0x9b: {  	s6 =	simm.s32 $_size__tile_overlayer_lowered;
	s7 =	simm.s32 $_tile_overlayer_lowered  }
0x9c: {  	s22 =	simm.s32 $0x1BFF;
	s21 =	sshll.u32 s7, $0x1;
	s4 =	sadd.s32 s5, s19  }
0x9d: {  	s8 =	simm.s32 $0x0;
	s20 =	sshll.u32 s6, $0x1;
	s6 =	sadd.s32 s21, s4  }
0x9e: {  	[timem:s8], [sflag:s22] =	dma.local [hbm:s6], s20  }
0x9f: {  	_ =	swait.ge [sflag:s22], s20  }
0xa0: {  	s5 =	ssub.s32 $0x0, s20;
	[sflag:s22] =	ssyncset.done $0x0  }
0xa1: {  	[sflag:s22] =	ssyncadd.s32 s5;
	_ =	sdelay $0x1  }
0xa2: {  	s23 =	simm.s32 $0x1B8B  }
0xa3: {  	_ =	swait.ge [sflag:s23], $0x1  }
0xa4: {  	[sflag:s23] =	ssyncset.done $0x0  }
0xa5: {  	s25 =	simm.s32 $0x1B8E;
	s24 =	sld [smem:$0x3FFE];
	[sflag:s23] =	ssyncadd.s32 $0xFFFFFFFF  }
0xa6: {  	s26 =	simm.s32 $execute0_lowered;
	[smem:$0x3FD2] =	sst s25  }
0xa7: {  	s6 =	sshll.u32 s26, $0x1;
	_ =	strace $0x80000046;
	[dreg:$0x1] =	wrdreg $0xFFFFFFFF  }
0xa8: {  	s28 =	simm.s32 $_size_execute0_lowered;
	s4 =	sadd.s32 s4, s6;
	[dreg:$0x0] =	wrdreg $0x0  }
0xa9: {  	s6 =	sshll.u32 s28, $0x1;
	[dreg:$0x2] =	wrdreg s4  }
0xaa: {  	[dreg:$0x3] =	wrdreg s6  }
0xab: {  	[dreg:$0x4] =	wrdreg $0xC0  }
0xac: {  	_ =	task [dreg:s8], $0x5FFFF  }
0xad: {  	[dreg:$0x1] =	wrdreg $0xFFFFFFFF  }
0xae: {  	[dreg:$0x0] =	wrdreg $0x60  }
0xaf: {  	[dreg:$0x2] =	wrdreg s18  }
0xb0: {  	[dreg:$0x3] =	wrdreg s24  }
0xb1: {  	[dreg:$0x4] =	wrdreg s2  }
0xb2: {  	[dreg:$0x5] =	wrdreg $0x9  }
0xb3: {  	_ =	task.clear_ibuf [dreg:s8], $0x6FFFF;
	_ =	strace $0x90000046  }
0xb4: {  	s29 =	simm.s32 $0x9;
	_ =	strace $0x80000048  }
0xb5: {  	_ =	swait.ge [sflag:s29], $0x1  }
0xb6: {  	[sflag:s29] =	ssyncadd.s32 $0xFFFFFFFF  }
0xb7: {  	_ =	strace $0x90000048  }
0xb8: {  	_ =	sfence  }
0xb9: {  	s30 =	sld [smem:$0x0];
	_ =	sdelay $0x2  }
0xba: {  	s31 =	sshll.u32 s1, $0xD;
	s1 =	sshrl.u32 s1, $0x2  }
0xbb: {  	s3 =	sand.u32 $0x4000, s31;
	s1 =	sadd.s32 s1, s30  }
0xbc: {  	s0 =	sor.u32 s3, s0;
	s1 =	sshll.u32 s1, $0x11  }
0xbd: {  	s0 =	sor.u32 s1, s0  }
0xbe: {  	s0 =	sadd.s32 $0x8F2B, s0  }
0xbf: {  	[sflag:s0] =	ssyncadd.remote.s32 $0x1  }
0xc0: {  	_ =	sfence.sel $0xFFFF  }
0xc1: {  	[dreg:$0x0] =	wrdreg $0xFFFFFFFF;
	(pc) =	sbr.abs _section_cstart, $3  }
0xc2: {  	[dreg:$0x1] =	wrdreg $0xFFFFFFFF  }
0xc3: {  	_ =	task.clear_ibuf [dreg:s8], $0x2FFFF;
	_ =	strace $0x9FFFFFFF  }
0xc4: {  	(tm) =	ssettm $0x7FFFFFFF  }
0xc5: {  	_ =	shalt  }
tec
execute0_lowered:
.L_overlay_start_1:
0x0: {  	(tag) =	ssettag $0x1  }
0x1: {  	s1 =	rddreg [dreg:$0x0]  }
0x2: {  	s0 =	rddreg [dreg:$0x1]  }
0x3: {  	s2 =	rddreg [dreg:$0x2];
	s3 =	simm.s32 $0x0;
	s6 =	srdreg.scid  }
0x4: {  	s8 =	stileid.u32;
	s12 =	simm.s32 $0x18000;
	s6 =	sand.u32 $0x1, s6  }
0x5: {  	s31 =	sshll.u32 s8, $0x4;
	s29 =	ssub.s32 $0x2, s6;
	s6 =	sshll.u32 s6, $0x3  }
0x6: {  	s13 =	simm.s32 $0x2;
	s14 =	simm.s32 $0x18080;
	s10 =	sor.u32 s6, s31  }
0x7: {  	s15 =	simm.s32 $0x10;
	s16 =	simm.s32 $0x18180;
	s17 =	simm.s32 $0x18200;
	v0 =	vmov s10  }
0x8: {  	s18 =	simm.s32 $0x1;
	s11 =	simm.s32 $0x15400;
	s20 =	simm.s32 $0x0;
	v1 =	vmul.u32 $0x28, v0  }
0x9: {  	[smem:$0x7FF] =	sst s3;
	s4 =	sadd.s32 $0x1200, s0;
	s5 =	sadd.s32 $0xB000, s0;
	v0 =	vlaneseq.u32  }
.Ltmp0:
0xa: {  	s7 =	sadd.s32 $0x1000, s0;
	s28 =	sadd.s32 $0xE00, s0;
	v2 =	vmul.u32 $0x28, v0;
	v1 =	vbroadcast v1, $0x0;
	(pc) =	sbr.rel .LBB2_1-.Ltmp0, $4  }
0xb: {  	s9 =	sadd.s32 $0x14E00, s0;
	s8 =	simm.s32 $0x14000;
	s30 =	sshrl.u32 s29, $0x1  }
0xc: {  	_ =	strace $0x80000047;
	[dreg:$0x4] =	wrdreg s7;
	s0 =	ssub.s32 s29, s30;
	v1 =	vadd.s32 v2, v1  }
0xd: {  	[dreg:$0x5] =	wrdreg s28;
	s7 =	simm.s32 $0x12C00;
	s0 =	smax.u32 s0, $0x1;
	vm0 =	vlt.s32 v1, $0x2710  }
0xe: {  	v3 =	vimm.f32 $0.0e+00;
	s6 =	simm.s32 $0x11800;
	[dreg:$0x6] =	wrdreg s0;
	s0 =	simm.s32 $0x10400;
	v2 =	vmul.u32 $0x80, v0;
	v1 =	vnsel vm0, $0x2710, v1  }
.LBB2_16:
0xf: {  	s20 =	rddreg [dreg:$0x7]  }
0x10: {  	s19 =	rddreg [dreg:$0x6];
	s20 =	sadd.s32 $0x1, s20  }
0x11: {  	p0 =	sne.s32 s20, s19  }
.Ltmp1:
0x12: {  	_ = 	snop;
	(pc) =	sbr.rel @!p0 .LBB2_17-.Ltmp1, $1  }
0x13: {  	_ =	sdelay $0x3  }
.LBB2_1:
0x14: {  	[dreg:$0x7] =	wrdreg s20  }
0x15: {  	s19 =	rddreg [dreg:$0x4]  }
0x16: {  	[tilespmem:s12], [sflag:$0x2] =	stream.linear.gather [hbm4b:s19+s3], $0x80, $0x38;
	[tilespmem:$0x18A00] =	vst v63  }
0x17: {  	_ =	swait.ge [sflag:s13], $0x80  }
0x18: {  	[sflag:s13] =	ssyncset.done $0x0  }
0x19: {  	s31 =	rddreg [dreg:$0x5];
	[sflag:s13] =	ssyncadd.s32 $0xFFFFFF80  }
0x1a: {  	v4 =	vimm.s32 $0x0;
	v5 =	vimm.s32 $0x4E200;
	[tilespmem:s14], [sflag:$0x2] =	stream.linear.gather [hbm4b:s31+s3], $0x80, $0x38;
	[tilespmem:$0x18A00] =	vst v63  }
0x1b: {  	v7 =	vadd.s32 v4, v5;
	_ =	swait.ge [sflag:s13], $0x80  }
0x1c: {  	v6 =	vshra.s32 v7, $0x1;
	[sflag:s13] =	ssyncset.done $0x0  }
0x1d: {  	v7 =	vshra.s32 v7, $0x8;
	v8 =	vand.u32 $0x7F, v6;
	[sflag:s13] =	ssyncadd.s32 $0xFFFFFF80  }
0x1e: {  	[tilespmem:$0x18180] =	vst v7;
	v7 =	vor.u32 v2, v8  }
0x1f: {  	[tilespmem:s17], [sflag:$0x1] =	stream.indirect.gather [hbm4b:s2+s15], $0x80, s16, s15, $0xb8;
	[tilespmem:$0x18A00] =	vst v63  }
0x20: {  	_ =	swait.ge [sflag:s18], $0x800  }
0x21: {  	[sflag:s18] =	ssyncset.done $0x0  }
0x22: {  	[sflag:s18] =	ssyncadd.s32 $0xFFFFF800  }
0x23: {  	v7 =	vld.idx.msk [tilespmem:v7+s17+$0x0], $0xffff;
	_ =	sdelay $0x4  }
0x24: {  	s19 =	simm.s32 $0x12;
	vm0 =	vlt.s32 v7, v1;
	v7 =	vadd.s32 $0x1, v6  }
.LBB2_2:
0x25: {  	p0 =	sne.s32 s19, $0x1;
	s19 =	sadd.s32 $0xFFFFFFFF, s19;
	v4 =	vsel vm0, v7, v4;
	v5 =	vsel vm0, v5, v6  }
0x26: {  	v7 =	vadd.s32 v4, v5  }
0x27: {  	v6 =	vshra.s32 v7, $0x1;
	v7 =	vshra.s32 v7, $0x8  }
0x28: {  	[tilespmem:$0x18180] =	vst v7;
	v7 =	vand.u32 $0x7F, v6  }
0x29: {  	[tilespmem:s17], [sflag:$0x1] =	stream.indirect.gather [hbm4b:s2+s15], $0x80, s16, s15, $0xb8;
	v7 =	vor.u32 v2, v7;
	[tilespmem:$0x18A00] =	vst v63  }
0x2a: {  	_ =	swait.ge [sflag:s18], $0x800  }
0x2b: {  	[sflag:s18] =	ssyncset.done $0x0  }
0x2c: {  	[sflag:s18] =	ssyncadd.s32 $0xFFFFF800;
	_ =	sdelay $0x1  }
0x2d: {  	v7 =	vld.idx.msk [tilespmem:v7+s17+$0x0], $0xffff;
	_ =	sdelay $0x1  }
.Ltmp2:
0x2e: {  	(pc) =	sbr.rel @p0 .LBB2_2-.Ltmp2, $2  }
0x2f: {  	_ =	sdelay $0x2  }
0x30: {  	vm0 =	vlt.s32 v7, v1;
	v7 =	vadd.s32 $0x1, v6  }
.Ltmp3:
0x31: {  	(pc) =	sbr.rel .LBB2_4-.Ltmp3, $4  }
0x32: {  	_ = 	snop  }
0x33: {  	v4 =	vsel vm0, v7, v4  }
0x34: {  	[tilespmem:$0x18100] =	vst v4  }
0x35: {  	s19 =	simm.s32 $0x0;
	[tilespmem:$0x18110] =	vst v4  }
.LBB2_14:
0x36: {  	s20 =	smul.u32 $0x1400, s20;
	_ =	sdelay $0x1  }
0x37: {  	s20 =	sshrl.u32 s20, $0x3  }
0x38: {  	s20 =	sadd.s32 s9, s20  }
0x39: {  	[hbm4b:s20+s3] =	stream.linear.scatter [tilespmem:s3], [sflag:$0x1], $0x1400, $0x38;
	[tilespmem:$0x18A00] =	vst v63  }
0x3a: {  	s22 =	simm.s32 $0x1400;
	s21 =	sadd.s32 $0x27100, s20  }
0x3b: {  	[hbm4b:s21+s3] =	stream.linear.scatter [tilespmem:s22], [sflag:$0x1], $0x1400, $0x38;
	[tilespmem:$0x18A00] =	vst v63  }
0x3c: {  	s31 =	simm.s32 $0x2800;
	s30 =	sadd.s32 $0x4E200, s20  }
0x3d: {  	[hbm4b:s30+s3] =	stream.linear.scatter [tilespmem:s31], [sflag:$0x1], $0x1400, $0x38;
	[tilespmem:$0x18A00] =	vst v63  }
0x3e: {  	s24 =	simm.s32 $0x3C00;
	s23 =	sadd.s32 $0x75300, s20  }
0x3f: {  	[hbm4b:s23+s3] =	stream.linear.scatter [tilespmem:s24], [sflag:$0x1], $0x1400, $0x38;
	[tilespmem:$0x18A00] =	vst v63  }
0x40: {  	s26 =	simm.s32 $0x5000;
	s25 =	sadd.s32 $0x9C400, s20  }
0x41: {  	[hbm4b:s25+s3] =	stream.linear.scatter [tilespmem:s26], [sflag:$0x1], $0x1400, $0x38;
	[tilespmem:$0x18A00] =	vst v63  }
0x42: {  	s29 =	simm.s32 $0x6400;
	s28 =	sadd.s32 $0xC3500, s20  }
0x43: {  	[hbm4b:s28+s3] =	stream.linear.scatter [tilespmem:s29], [sflag:$0x1], $0x1400, $0x38;
	[tilespmem:$0x18A00] =	vst v63  }
0x44: {  	s30 =	sadd.s32 $0xEA600, s20;
	s31 =	simm.s32 $0x7800  }
0x45: {  	[hbm4b:s30+s3] =	stream.linear.scatter [tilespmem:s31], [sflag:$0x1], $0x1400, $0x38;
	[tilespmem:$0x18A00] =	vst v63  }
0x46: {  	s23 =	sadd.s32 $0x111700, s20;
	s24 =	simm.s32 $0x8C00  }
0x47: {  	[hbm4b:s23+s3] =	stream.linear.scatter [tilespmem:s24], [sflag:$0x1], $0x1400, $0x38;
	[tilespmem:$0x18A00] =	vst v63  }
0x48: {  	s25 =	sadd.s32 $0x138800, s20;
	s26 =	simm.s32 $0xA000  }
0x49: {  	[hbm4b:s25+s3] =	stream.linear.scatter [tilespmem:s26], [sflag:$0x1], $0x1400, $0x38;
	[tilespmem:$0x18A00] =	vst v63  }
0x4a: {  	s28 =	sadd.s32 $0x15F900, s20;
	s29 =	simm.s32 $0xB400  }
0x4b: {  	[hbm4b:s28+s3] =	stream.linear.scatter [tilespmem:s29], [sflag:$0x1], $0x1400, $0x38;
	[tilespmem:$0x18A00] =	vst v63  }
0x4c: {  	s30 =	sadd.s32 $0x186A00, s20;
	s31 =	simm.s32 $0xC800  }
0x4d: {  	[hbm4b:s30+s3] =	stream.linear.scatter [tilespmem:s31], [sflag:$0x1], $0x1400, $0x38;
	[tilespmem:$0x18A00] =	vst v63  }
0x4e: {  	s23 =	sadd.s32 $0x1ADB00, s20;
	s24 =	simm.s32 $0xDC00  }
0x4f: {  	[hbm4b:s23+s3] =	stream.linear.scatter [tilespmem:s24], [sflag:$0x1], $0x1400, $0x38;
	[tilespmem:$0x18A00] =	vst v63  }
0x50: {  	s25 =	sadd.s32 $0x1D4C00, s20;
	s26 =	simm.s32 $0xF000  }
0x51: {  	[hbm4b:s25+s3] =	stream.linear.scatter [tilespmem:s26], [sflag:$0x1], $0x1400, $0x38;
	[tilespmem:$0x18A00] =	vst v63  }
0x52: {  	s28 =	sadd.s32 $0x1FBD00, s20  }
0x53: {  	[hbm4b:s28+s3] =	stream.linear.scatter [tilespmem:s0], [sflag:$0x1], $0x1400, $0x38;
	[tilespmem:$0x18A00] =	vst v63  }
0x54: {  	s29 =	sadd.s32 $0x222E00, s20  }
0x55: {  	[hbm4b:s29+s3] =	stream.linear.scatter [tilespmem:s6], [sflag:$0x1], $0x1400, $0x38;
	[tilespmem:$0x18A00] =	vst v63  }
0x56: {  	s30 =	sadd.s32 $0x249F00, s20  }
0x57: {  	[hbm4b:s30+s3] =	stream.linear.scatter [tilespmem:s7], [sflag:$0x1], $0x1400, $0x38;
	[tilespmem:$0x18A00] =	vst v63  }
0x58: {  	s31 =	sadd.s32 $0x271000, s20  }
0x59: {  	[hbm4b:s31+s3] =	stream.linear.scatter [tilespmem:s8], [sflag:$0x1], $0x1400, $0x38;
	[tilespmem:$0x18A00] =	vst v63  }
0x5a: {  	s20 =	sadd.s32 $0x298100, s20  }
0x5b: {  	[hbm4b:s20+s3] =	stream.linear.scatter [tilespmem:s11], [sflag:$0x1], $0x1400, $0x38;
	[tilespmem:$0x18A00] =	vst v63  }
0x5c: {  	_ =	swait.ge [sflag:s18], $0x1400  }
0x5d: {  	[sflag:s18] =	ssyncset.done $0x0  }
0x5e: {  	[sflag:s18] =	ssyncadd.s32 $0xFFFFEC00  }
0x5f: {  	_ =	swait.ge [sflag:s18], $0x1400  }
0x60: {  	[sflag:s18] =	ssyncset.done $0x0  }
0x61: {  	[sflag:s18] =	ssyncadd.s32 $0xFFFFEC00  }
0x62: {  	_ =	swait.ge [sflag:s18], $0x1400  }
0x63: {  	[sflag:s18] =	ssyncset.done $0x0  }
0x64: {  	[sflag:s18] =	ssyncadd.s32 $0xFFFFEC00  }
0x65: {  	_ =	swait.ge [sflag:s18], $0x1400  }
0x66: {  	[sflag:s18] =	ssyncset.done $0x0  }
0x67: {  	[sflag:s18] =	ssyncadd.s32 $0xFFFFEC00  }
0x68: {  	_ =	swait.ge [sflag:s18], $0x1400  }
0x69: {  	[sflag:s18] =	ssyncset.done $0x0  }
0x6a: {  	[sflag:s18] =	ssyncadd.s32 $0xFFFFEC00  }
0x6b: {  	_ =	swait.ge [sflag:s18], $0x1400  }
0x6c: {  	[sflag:s18] =	ssyncset.done $0x0  }
0x6d: {  	[sflag:s18] =	ssyncadd.s32 $0xFFFFEC00  }
0x6e: {  	_ =	swait.ge [sflag:s18], $0x1400  }
0x6f: {  	[sflag:s18] =	ssyncset.done $0x0  }
0x70: {  	[sflag:s18] =	ssyncadd.s32 $0xFFFFEC00  }
0x71: {  	_ =	swait.ge [sflag:s18], $0x1400  }
0x72: {  	[sflag:s18] =	ssyncset.done $0x0  }
0x73: {  	[sflag:s18] =	ssyncadd.s32 $0xFFFFEC00  }
0x74: {  	_ =	swait.ge [sflag:s18], $0x1400  }
0x75: {  	[sflag:s18] =	ssyncset.done $0x0  }
0x76: {  	[sflag:s18] =	ssyncadd.s32 $0xFFFFEC00  }
0x77: {  	_ =	swait.ge [sflag:s18], $0x1400  }
0x78: {  	[sflag:s18] =	ssyncset.done $0x0  }
0x79: {  	[sflag:s18] =	ssyncadd.s32 $0xFFFFEC00  }
0x7a: {  	_ =	swait.ge [sflag:s18], $0x1400  }
0x7b: {  	[sflag:s18] =	ssyncset.done $0x0  }
0x7c: {  	[sflag:s18] =	ssyncadd.s32 $0xFFFFEC00  }
0x7d: {  	_ =	swait.ge [sflag:s18], $0x1400  }
0x7e: {  	[sflag:s18] =	ssyncset.done $0x0  }
0x7f: {  	[sflag:s18] =	ssyncadd.s32 $0xFFFFEC00  }
0x80: {  	_ =	swait.ge [sflag:s18], $0x1400  }
0x81: {  	[sflag:s18] =	ssyncset.done $0x0  }
0x82: {  	[sflag:s18] =	ssyncadd.s32 $0xFFFFEC00  }
0x83: {  	_ =	swait.ge [sflag:s18], $0x1400  }
0x84: {  	[sflag:s18] =	ssyncset.done $0x0  }
0x85: {  	[sflag:s18] =	ssyncadd.s32 $0xFFFFEC00  }
0x86: {  	_ =	swait.ge [sflag:s18], $0x1400  }
0x87: {  	[sflag:s18] =	ssyncset.done $0x0  }
0x88: {  	[sflag:s18] =	ssyncadd.s32 $0xFFFFEC00  }
0x89: {  	_ =	swait.ge [sflag:s18], $0x1400  }
0x8a: {  	[sflag:s18] =	ssyncset.done $0x0  }
0x8b: {  	[sflag:s18] =	ssyncadd.s32 $0xFFFFEC00  }
0x8c: {  	_ =	swait.ge [sflag:s18], $0x1400  }
0x8d: {  	[sflag:s18] =	ssyncset.done $0x0  }
0x8e: {  	[sflag:s18] =	ssyncadd.s32 $0xFFFFEC00  }
0x8f: {  	_ =	swait.ge [sflag:s18], $0x1400  }
0x90: {  	[sflag:s18] =	ssyncset.done $0x0  }
0x91: {  	[sflag:s18] =	ssyncadd.s32 $0xFFFFEC00  }
.LBB2_15:
0x92: {  	s19 =	sadd.s32 $0x1, s19  }
0x93: {  	p0 =	sne.s32 s19, $0x8  }
.Ltmp4:
0x94: {  	_ = 	snop;
	(pc) =	sbr.rel @!p0 .LBB2_16-.Ltmp4, $1  }
0x95: {  	_ =	sdelay $0x3  }
.LBB2_4:
0x96: {  	s20 =	sor.u32 s10, s19  }
0x97: {  	p0 =	sgt.u32 s20, $0xF9  }
.Ltmp5:
0x98: {  	_ = 	snop;
	(pc) =	sbr.rel @p0 .LBB2_15-.Ltmp5, $1  }
0x99: {  	_ =	sdelay $0x3  }
0x9a: {  	s22 =	smul.u32 $0xFFFFFFD8, s20;
	v6 =	vld [tilespmem:s19+$0x18100];
	s24 =	simm.s32 $0x0;
	s21 =	simm.s32 $0x400  }
.LBB2_6:
0x9b: {  	p0 =	sne.s32 s21, $0x59C00;
	[tilespmem:s24+$0xF0] =	vst v3  }
0x9c: {  	[tilespmem:s24+$0x0] =	vst v3  }
0x9d: {  	[tilespmem:s24+$0x10] =	vst v3  }
0x9e: {  	[tilespmem:s24+$0x20] =	vst v3  }
0x9f: {  	[tilespmem:s24+$0x30] =	vst v3  }
0xa0: {  	[tilespmem:s24+$0x40] =	vst v3  }
0xa1: {  	[tilespmem:s24+$0x50] =	vst v3  }
0xa2: {  	[tilespmem:s24+$0x60] =	vst v3  }
0xa3: {  	[tilespmem:s24+$0x70] =	vst v3  }
0xa4: {  	[tilespmem:s24+$0x80] =	vst v3  }
0xa5: {  	[tilespmem:s24+$0x90] =	vst v3  }
.Ltmp6:
0xa6: {  	[tilespmem:s24+$0xA0] =	vst v3;
	(pc) =	sbr.rel @p0 .LBB2_6-.Ltmp6, $4  }
0xa7: {  	[tilespmem:s24+$0xB0] =	vst v3  }
0xa8: {  	[tilespmem:s24+$0xC0] =	vst v3  }
0xa9: {  	[tilespmem:s24+$0xD0] =	vst v3  }
0xaa: {  	[tilespmem:s24+$0xE0] =	vst v3;
	s24 =	sshra.s32 s21, $0x2;
	s21 =	sadd.s32 $0x400, s21  }
0xab: {  	(v2sf) =	vpush v6, $0x0;
	_ =	sdelay $0x6  }
0xac: {  	(v2sf) =	vpush v6, $0x1;
	_ =	sdelay $0x7  }
0xad: {  	s21 =	spop (v2sf)  }
0xae: {  	s23 =	sand.u32 $0xF, s21  }
0xaf: {  	s25 =	sshra.s32 s21, $0x1F;
	p0 =	slt.s32 s21, $0x1;
	p1 =	sne.s32 s23, $0x0  }
0xb0: {  	s30 =	sshrl.u32 s25, $0x1C;
	p0 =	por !p0, !p1  }
0xb1: {  	s23 =	simm.s32 $0x1;
	s21 =	sadd.s32 s30, s21;
	p0 =	por !p0, !p0  }
0xb2: {  	s21 =	sshrl.u32 s21, $0x4;
	s23 =	simm.s32 @!p0 $0x0  }
0xb3: {  	[tilespmem:s24+$0xF0] =	vst v3;
	s23 =	ssub.s32 s21, s23  }
0xb4: {  	[tilespmem:s24+$0x0] =	vst v3;
	s21 =	spop (v2sf);
	s25 =	sshll.u32 s23, $0x4  }
0xb5: {  	[tilespmem:s24+$0x10] =	vst v3;
	s23 =	ssub.s32 s21, s25  }
0xb6: {  	[tilespmem:s24+$0x20] =	vst v3;
	s23 =	sadd.s32 $0x7FF, s23  }
0xb7: {  	[tilespmem:s24+$0x30] =	vst v3;
	s26 =	sand.u32 $0x7FF, s23  }
0xb8: {  	[tilespmem:s24+$0x40] =	vst v3;
	s31 =	sshra.s32 s23, $0x1F;
	p6 =	slt.s32 s23, $0x1;
	p5 =	sne.s32 s26, $0x0  }
0xb9: {  	[tilespmem:s24+$0x50] =	vst v3;
	s26 =	sshrl.u32 s31, $0x15;
	p0 =	por !p6, !p5  }
0xba: {  	[tilespmem:s24+$0x60] =	vst v3;
	s23 =	sadd.s32 s26, s23;
	s26 =	simm.s32 $0x1;
	p0 =	por !p0, !p0  }
0xbb: {  	[tilespmem:s24+$0x70] =	vst v3;
	s23 =	sshra.s32 s23, $0xB;
	s26 =	simm.s32 @!p0 $0x0  }
0xbc: {  	[tilespmem:s24+$0x80] =	vst v3;
	s23 =	ssub.s32 s23, s26  }
0xbd: {  	[tilespmem:s24+$0x90] =	vst v3;
	p0 =	slt.s32 s23, $0x1  }
.Ltmp7:
0xbe: {  	[tilespmem:s24+$0xA0] =	vst v3;
	(pc) =	sbr.rel @p0 .LBB2_14-.Ltmp7, $4  }
0xbf: {  	[tilespmem:s24+$0xB0] =	vst v3  }
0xc0: {  	[tilespmem:s24+$0xC0] =	vst v3  }
0xc1: {  	[tilespmem:s24+$0xD0] =	vst v3  }
0xc2: {  	[tilespmem:s24+$0xE0] =	vst v3  }
.Ltmp8:
0xc3: {  	(pc) =	sbr.rel .LBB2_9-.Ltmp8, $2  }
0xc4: {  	_ =	sdelay $0x2  }
0xc5: {  	v4 =	vmov s22;
	v5 =	vbroadcast v6, $0x0;
	v6 =	vbroadcast v6, $0x1;
	s24 =	simm.s32 $0x0;
	s22 =	smov.u32 s25  }
.LBB2_12:
0xc6: {  	_ =	sdelay $0x4  }
0xc7: {  	[tilespmem:v7+s3+$0x0] =	vst.idx.add.f32.msk vm0, v8  }
.LBB2_13:
0xc8: {  	s24 =	sadd.s32 $0x1, s24  }
0xc9: {  	p0 =	sne.s32 s24, s23  }
.Ltmp9:
0xca: {  	_ = 	snop;
	(pc) =	sbr.rel @!p0 .LBB2_14-.Ltmp9, $2  }
0xcb: {  	_ =	sdelay $0x2  }
0xcc: {  	s22 =	sadd.s32 $0x800, s22  }
.LBB2_9:
0xcd: {  	s26 =	sshll.u32 s24, $0xB  }
0xce: {  	s30 =	sadd.s32 s25, s26  }
0xcf: {  	s29 =	sshrl.u32 s30, $0x3  }
0xd0: {  	s26 =	simm.s32 $0x16800;
	s28 =	sadd.s32 s1, s29  }
0xd1: {  	[tilespmem:s26], [sflag:$0x2] =	stream.linear.gather [hbm4b:s28+s3], $0x800, $0x38;
	[tilespmem:$0x18A00] =	vst v63  }
0xd2: {  	_ =	swait.ge [sflag:s13], $0x800  }
0xd3: {  	s30 =	ssub.s32 s21, s30;
	s31 =	sadd.s32 s4, s29;
	[sflag:s13] =	ssyncset.done $0x0  }
0xd4: {  	s30 =	sadd.s32 $0xF, s30;
	s28 =	simm.s32 $0x17000;
	[sflag:s13] =	ssyncadd.s32 $0xFFFFF800  }
0xd5: {  	[tilespmem:s28], [sflag:$0x2] =	stream.linear.gather [hbm4b:s31+s3], $0x800, $0x38;
	[tilespmem:$0x18A00] =	vst v63  }
0xd6: {  	p0 =	slt.s32 s30, $0x800;
	_ =	swait.ge [sflag:s13], $0x800  }
0xd7: {  	p1 =	slt.s32 s30, $0x1;
	s30 =	simm.s32 @!p0 $0x800;
	[sflag:s13] =	ssyncset.done $0x0  }
0xd8: {  	s31 =	sadd.s32 s5, s29;
	s29 =	simm.s32 $0x17800;
	[sflag:s13] =	ssyncadd.s32 $0xFFFFF800  }
0xd9: {  	[tilespmem:s29], [sflag:$0x2] =	stream.linear.gather [hbm4b:s31+s3], $0x800, $0x38;
	[tilespmem:$0x18A00] =	vst v63  }
0xda: {  	s31 =	sand.u32 $0xF, s30  }
0xdb: {  	p6 =	sne.s32 s31, $0x0;
	s31 =	sshra.s32 s30, $0x1F  }
0xdc: {  	s31 =	sshrl.u32 s31, $0x1C;
	p0 =	por !p1, !p6  }
0xdd: {  	s30 =	sadd.s32 s31, s30;
	p0 =	por !p0, !p0;
	s31 =	simm.s32 $0x1  }
0xde: {  	s30 =	sshra.s32 s30, $0x4;
	s31 =	simm.s32 @!p0 $0x0  }
0xdf: {  	s30 =	ssub.s32 s30, s31  }
0xe0: {  	p0 =	slt.s32 s30, $0x1  }
.Ltmp10:
0xe1: {  	_ = 	snop;
	(pc) =	sbr.rel @p0 .LBB2_13-.Ltmp10, $4  }
0xe2: {  	_ = 	snop  }
0xe3: {  	_ =	swait.ge [sflag:s13], $0x800  }
0xe4: {  	[sflag:s13] =	ssyncset.done $0x0  }
0xe5: {  	[sflag:s13] =	ssyncadd.s32 $0xFFFFF800  }
0xe6: {  	v7 =	vld [tilespmem:s28+$0x0];
	_ =	sdelay $0x4  }
0xe7: {  	v8 =	vand.u32 $0x7F, v7;
	_ =	sdelay $0x4  }
0xe8: {  	v9 =	vld.idx.msk [tilespmem:v8+s12+$0x0], $0xffff  }
0xe9: {  	v8 =	vld.idx.msk [tilespmem:v8+s14+$0x0], $0xffff  }
0xea: {  	v10 =	vld [tilespmem:s26+$0x0];
	_ =	sdelay $0x2  }
0xeb: {  	v9 =	vsub.f32 $0.0e+00, v9  }
0xec: {  	v8 =	vsub.f32 $0.0e+00, v8  }
0xed: {  	v11 =	vld [tilespmem:s29+$0x0];
	v9 =	vmul.f32 v9, v10  }
0xee: {  	v8 =	vmul.f32 v8, v10  }
0xef: {  	v9 =	vmul.f32 $1.442695020e+00, v9  }
0xf0: {  	v8 =	vmul.f32 $1.442695020e+00, v8  }
0xf1: {  	v10 =	vshrl.u32 v7, $0x6;
	v7 =	vshll.u32 v7, $0x1;
	(erf) = vpow2.f32 v9  }
0xf2: {  	v9 =	vadd.s32 v4, v11;
	v11 =	vor.u32 s22, v0;
	(erf) = vpow2.f32 v8  }
0xf3: {  	v8 =	vmul.u32 $0x1400, v10;
	vm0 =	vge.s32 v11, v5;
	vm1 =	vlt.s32 v11, v6  }
0xf4: {  	vm2 =	vlt.u32 v9, $0x28;
	v9 =	vshll.u32 v9, $0x7;
	vm0 =	vmand vm0, vm1  }
0xf5: {  	v7 =	vand.u32 $0x7E, v7;
	v8 =	vadd.s32 v8, v9;
	vm0 =	vmand vm0, vm2  }
0xf6: {  	p0 =	sne.s32 s30, $0x1;
	v8 =	vor.u32 v7, v8  }
.Ltmp11:
0xf7: {  	v7 =	vor.u32 $0x1, v8;
	(pc) =	sbr.rel @!p0 .LBB2_12-.Ltmp11, $3  }
0xf8: {  	_ =	sdelay $0x1  }
0xf9: {  	v9 =	vpop (erf)  }
0xfa: {  	s30 =	sadd.s32 $0xFFFFFFFF, s30;
	s31 =	sadd.s32 $0x10, s22;
	[tilespmem:v8+s3+$0x0] =	vst.idx.add.f32.msk vm0, v9;
	v8 =	vpop (erf)  }
.LBB2_11:
0xfb: {  	[tilespmem:v7+s3+$0x0] =	vst.idx.add.f32.msk vm0, v8;
	s26 =	sadd.s32 $0x10, s26;
	s28 =	sadd.s32 $0x10, s28;
	s29 =	sadd.s32 $0x10, s29  }
0xfc: {  	p0 =	sne.s32 s30, $0x1;
	s30 =	sadd.s32 $0xFFFFFFFF, s30;
	v7 =	vld [tilespmem:s28+$0x0]  }
0xfd: {  	v8 =	vld [tilespmem:s29+$0x0];
	_ =	sdelay $0x3  }
0xfe: {  	v9 =	vand.u32 $0x7F, v7;
	v10 =	vshrl.u32 v7, $0x6;
	v7 =	vshll.u32 v7, $0x1  }
0xff: {  	v8 =	vadd.s32 v4, v8;
	v10 =	vmul.u32 $0x1400, v10  }
0x100: {  	vm0 =	vlt.u32 v8, $0x28;
	v8 =	vshll.u32 v8, $0x7  }
0x101: {  	v8 =	vadd.s32 v10, v8;
	_ =	sdelay $0x1  }
0x102: {  	v10 =	vld.idx.msk [tilespmem:v9+s12+$0x0], $0xffff  }
0x103: {  	v9 =	vld.idx.msk [tilespmem:v9+s14+$0x0], $0xffff;
	_ =	sdelay $0x1  }
0x104: {  	v11 =	vld [tilespmem:s26+$0x0];
	_ =	sdelay $0x2  }
0x105: {  	v10 =	vsub.f32 $0.0e+00, v10  }
0x106: {  	v9 =	vsub.f32 $0.0e+00, v9  }
0x107: {  	v10 =	vmul.f32 v10, v11  }
0x108: {  	v9 =	vmul.f32 v9, v11  }
0x109: {  	v10 =	vmul.f32 $1.442695020e+00, v10  }
0x10a: {  	v9 =	vmul.f32 $1.442695020e+00, v9  }
0x10b: {  	(erf) = vpow2.f32 v10  }
0x10c: {  	v10 =	vor.u32 s31, v0;
	(erf) = vpow2.f32 v9  }
0x10d: {  	vm1 =	vge.s32 v10, v5;
	vm2 =	vlt.s32 v10, v6  }
0x10e: {  	vm1 =	vmand vm1, vm2  }
0x10f: {  	v7 =	vand.u32 $0x7E, v7;
	vm0 =	vmand vm1, vm0  }
0x110: {  	v8 =	vor.u32 v7, v8  }
.Ltmp12:
0x111: {  	v7 =	vor.u32 $0x1, v8;
	(pc) =	sbr.rel @p0 .LBB2_11-.Ltmp12, $3  }
0x112: {  	_ =	sdelay $0x1  }
0x113: {  	v9 =	vpop (erf)  }
0x114: {  	s31 =	sadd.s32 $0x10, s31;
	[tilespmem:v8+s3+$0x0] =	vst.idx.add.f32.msk vm0, v9;
	v8 =	vpop (erf)  }
.Ltmp13:
0x115: {  	_ = 	snop;
	(pc) =	sbr.rel .LBB2_12-.Ltmp13, $1  }
0x116: {  	_ =	sdelay $0x3  }
.LBB2_17:
0x117: {  	_ =	sfence.sel $0x180000  }
0x118: {  	[bflag:$0x0] =	sbarrier.arrive $0xFFFF  }
0x119: {  	_ =	strace $0x90000047  }
0x11a: {  	s0 =	stileid.u32;
	[bflag:$0x2] =	sbarrier.arrive $0xFFFF  }
0x11b: {  	p0 =	sne.s32 s0, $0x0;
	s0 =	rddreg [dreg:$0x3]  }
0x11c: {  	s0 =	sadd.s32 @!p0 $0x100000, s0  }
0x11d: {  	[sflag:s0] =	ssyncadd.tile.s32 @!p0 $0x1;
	_ =	shalt  }
.Lfunc_end2:
_tile_overlayer_lowered:
.L_overlay_start_2:
0x11e: {  	(tag) =	ssettag $0x2  }
0x11f: {  	s0 =	rddreg [dreg:$0x0];
	s2 =	stileid.u32  }
0x120: {  	s1 =	rddreg [dreg:$0x1];
	p0 =	sne.s32 s2, $0x0  }
0x121: {  	s3 =	rddreg [dreg:$0x2];
	[bflag:$0x3] =	sbarrier.arrive $0xFFFF;
	s2 =	simm.s32 @!p0 $0x1C02  }
0x122: {  	[timem:s3], [sflag:s2] =	dma.local @!p0 [hbm:s0], s1  }
0x123: {  	s0 =	simm.s32 @!p0 $0x2  }
0x124: {  	_ =	swait.ge @!p0 [sflag:s0], s1  }
0x125: {  	s1 =	ssub.s32 @!p0 $0x0, s1;
	[sflag:s0] =	ssyncset.done @!p0 $0x0  }
0x126: {  	[sflag:s0] =	ssyncadd.s32 @!p0 s1  }
0x127: {  	[bflag:$0x3] =	sbarrier.arrive $0xFFFF  }
0x128: {  	_ =	shalt  }

</sc_bundles>
